<compile_context>
chip_gen: v7x
topology: tpu7x:2x2x1
jax: 0.10.2.dev20260603
libtpu: 0.0.44.dev20260713+nightly
codegen_flags: <defaults>
</compile_context>

<pallas_src>
import jax
import jax.numpy as jnp
from jax import lax
from jax.experimental import pallas as pl
from jax.experimental.pallas import tpu as pltpu
from jax.experimental.pallas import tpu_sc as plsc

HIDDEN = 64
WIDE = 128
LANES = 16
NC, NS = 2, 16
NW = NC * NS
NB = 2
NCHUNK = 2
C0 = 128
SCALE = 8.0


def _build(B, S):
    assert B % (NW * NCHUNK) == 0
    rpw = B // NW
    rpc = rpw // NCHUNK
    assert rpc % NB == 0
    steps = rpc // NB
    c1 = S - C0
    mesh = plsc.VectorSubcoreMesh(
        core_axis_name="c", subcore_axis_name="s",
        num_cores=NC, num_subcores=NS)

    def body(xh_hbm, xs_hbm, table_hbm, out_hbm,
             xh_v, xs_v, gbuf, sbuf, gsem, ssem):
        wid = lax.axis_index("s") * NC + lax.axis_index("c")
        rbase = wid * rpw

        def fire_gathers(slot, r):
            pltpu.async_copy(
                table_hbm.at[xh_v.at[pl.ds(r * S, C0)]],
                gbuf.at[slot, pl.ds(0, C0)], gsem.at[slot])
            pltpu.async_copy(
                table_hbm.at[xh_v.at[pl.ds(r * S + C0, c1)]],
                gbuf.at[slot, pl.ds(C0, c1)], gsem.at[slot])

        def wait_gathers(slot, r):
            pltpu.make_async_copy(
                table_hbm.at[xh_v.at[pl.ds(r * S, C0)]],
                gbuf.at[slot, pl.ds(0, C0)], gsem.at[slot]).wait()
            pltpu.make_async_copy(
                table_hbm.at[xh_v.at[pl.ds(r * S + C0, c1)]],
                gbuf.at[slot, pl.ds(C0, c1)], gsem.at[slot]).wait()

        for chunk in range(NCHUNK):
            cbase = rbase + chunk * rpc
            pltpu.sync_copy(xh_hbm.at[pl.ds(cbase * S, rpc * S)], xh_v)
            pltpu.sync_copy(xs_hbm.at[pl.ds(cbase * S, rpc * S)], xs_v)

            for b in range(NB):
                fire_gathers(b, b)

            @pl.loop(0, steps)
            def _step(step):
                for b in range(NB):
                    r = step * NB + b
                    wait_gathers(b, r)

                    @pl.when(jnp.logical_or(step > 0, chunk > 0))
                    def _():
                        pltpu.make_async_copy(
                            sbuf.at[b], out_hbm.at[rbase], ssem.at[b]).wait()

                    @pl.loop(0, S)
                    def _row(t):
                        par = xs_v[pl.ds(r * S + t, 1)]
                        o = (par[0] & 1) * HIDDEN
                        for j in range(HIDDEN // LANES):
                            sbuf[b, t, pl.ds(j * LANES, LANES)] = \
                                gbuf[b, t, pl.dslice(o + j * LANES, LANES)] \
                                * SCALE

                    pltpu.async_copy(
                        sbuf.at[b], out_hbm.at[cbase + r], ssem.at[b])

                    @pl.when(step < steps - 1)
                    def _():
                        fire_gathers(b, r + NB)

        for b in range(NB):
            pltpu.make_async_copy(
                sbuf.at[b], out_hbm.at[rbase], ssem.at[b]).wait()

    return pl.kernel(
        body,
        out_type=jax.ShapeDtypeStruct((B, S, HIDDEN), jnp.float32),
        mesh=mesh,
        scratch_types=[
            pltpu.VMEM((B // NW // NCHUNK * S,), jnp.int32),
            pltpu.VMEM((B // NW // NCHUNK * S,), jnp.int32),
            pltpu.VMEM((NB, S, WIDE), jnp.float32),
            pltpu.VMEM((NB, S, HIDDEN), jnp.float32),
            pltpu.SemaphoreType.DMA((NB,)),
            pltpu.SemaphoreType.DMA((NB,)),
        ],
        compiler_params=pltpu.CompilerParams(use_tc_tiling_on_sc=True),
    )


def kernel(x, table):
    b, s = x.shape
    v, h = table.shape
    table_p = table.reshape(v // 2, WIDE)
    xs = x.astype(jnp.int32).reshape(b * s)
    xh = xs >> 1
    return _build(b, s)(xh, xs, table_p)

# --- scband reference (transcript-rebuilt; emitter-appended) ---
"""Pipeline reference for scband-token-embedding-88175678587405 (READ-ONLY COPY).

The authoritative reference and input builder live on the scoring server;
editing this copy changes nothing except your own understanding.
"""

import jax, jax.numpy as jnp
import numpy as np

VOCAB = 1000000
HIDDEN = 64

def setup_inputs(seed: int = 0) -> dict:
    key = jax.random.key(seed)
    k1, k2 = jax.random.split(key)
    x = jax.random.randint(k1, (4096, 200), 0, VOCAB, dtype=jnp.int64 if jax.config.jax_enable_x64 else jnp.int32)
    table = jax.random.normal(k2, (VOCAB, HIDDEN), dtype=jnp.float32)
    return {"x": x, "table": table}

def reference(x, table):
    # Faithful translation of TokenEmbedding.forward:
    # embedding lookup followed by scaling by sqrt(hidden_size)
    scale = jnp.sqrt(jnp.asarray(HIDDEN, dtype=jnp.float32))
    emb = jnp.take(table, x, axis=0)
    return emb * scale

if __name__ == "__main__":
    import jax
    _d = setup_inputs()
    print(jax.jit(kernel)(*tuple(_d.values())))

</pallas_src>

<mosaic_0001>
#map = affine_map<(d0, d1) -> (0)>
#map1 = affine_map<(d0, d1) -> (0, 0)>
#map2 = affine_map<(d0, d1) -> (0, 0, 0)>
module attributes {stable_mosaic.version = 14 : i64} {
  func.func @body(%arg0: i32, %arg1: i32, %arg2: memref<819200xi32, #tpu.memory_space<hbm>>, %arg3: memref<819200xi32, #tpu.memory_space<hbm>>, %arg4: memref<500000x128xf32, #tpu.memory_space<hbm>>, %arg5: memref<4096x200x64xf32, #tpu.memory_space<hbm>>, %arg6: memref<12800xi32, #tpu.memory_space<vmem>>, %arg7: memref<12800xi32, #tpu.memory_space<vmem>>, %arg8: memref<2x200x128xf32, #tpu.memory_space<vmem>>, %arg9: memref<2x200x64xf32, #tpu.memory_space<vmem>>, %arg10: memref<2x!tpu.dma_semaphore, #tpu.memory_space<semaphore_mem>>, %arg11: memref<2x!tpu.dma_semaphore, #tpu.memory_space<semaphore_mem>>) attributes {dimension_semantics = [#tpu.dimension_semantics<core_parallel>, #tpu.dimension_semantics<subcore_parallel>], iteration_bounds = array<i64: 2, 16>, scalar_prefetch = 0 : i64, scratch_operands = 6 : i64, tpu.core_type = #tpu.core_type<sc_vector_subcore>, window_params = [{transform_indices = #map}, {transform_indices = #map}, {transform_indices = #map1}, {transform_indices = #map2}]} {
    %mul3A = arith.constant 2 : i32
    %mul3A_0 = arith.muli %arg1, %mul3A : i32
    %add3A = arith.addi %mul3A_0, %arg0 : i32
    %mul3A_1 = arith.constant 128 : i32
    %mul3A_2 = arith.muli %add3A, %mul3A_1 : i32
    %add3A_3 = arith.constant 0 : i32
    %add3A_4 = arith.addi %mul3A_2, %add3A_3 : i32
    %mul3A_5 = arith.constant 200 : i32
    %mul3A_6 = arith.muli %add3A_4, %mul3A_5 : i32
    "tpu.region"() ({
      %run_scoped3A = tpu.sem_alloc : memref<!tpu.dma_semaphore, #tpu.memory_space<semaphore_mem>>
      %dma_start3A_166 = tpu.memref_slice %arg2[%mul3A_6] : memref<819200xi32, #tpu.memory_space<hbm>> -> memref<12800xi32, #tpu.memory_space<hbm>>
      %dma_start3A_167 = tpu.memref_slice %arg2[%mul3A_6] : memref<819200xi32, #tpu.memory_space<hbm>> -> memref<12800xi32, #tpu.memory_space<hbm>>
      tpu.enqueue_dma source(%dma_start3A_167 : memref<12800xi32, #tpu.memory_space<hbm>>) target(%arg6 : memref<12800xi32, #tpu.memory_space<vmem>>) target_semaphore(%run_scoped3A : memref<!tpu.dma_semaphore, #tpu.memory_space<semaphore_mem>>)
      %dma_wait3A_168 = tpu.memref_slice %arg2[%mul3A_6] : memref<819200xi32, #tpu.memory_space<hbm>> -> memref<12800xi32, #tpu.memory_space<hbm>>
      %dma_wait3A_169 = tpu.memref_slice %arg2[%mul3A_6] : memref<819200xi32, #tpu.memory_space<hbm>> -> memref<12800xi32, #tpu.memory_space<hbm>>
      tpu.wait_dma2 semaphore(%run_scoped3A : memref<!tpu.dma_semaphore, #tpu.memory_space<semaphore_mem>>) src(%dma_wait3A_169 : memref<12800xi32, #tpu.memory_space<hbm>>) dst(%arg6 : memref<12800xi32, #tpu.memory_space<vmem>>)
      tpu.yield
    }) : () -> ()
    %mul3A_7 = arith.constant 200 : i32
    %mul3A_8 = arith.muli %add3A_4, %mul3A_7 : i32
    "tpu.region"() ({
      %run_scoped3A = tpu.sem_alloc : memref<!tpu.dma_semaphore, #tpu.memory_space<semaphore_mem>>
      %dma_start3A_166 = tpu.memref_slice %arg3[%mul3A_8] : memref<819200xi32, #tpu.memory_space<hbm>> -> memref<12800xi32, #tpu.memory_space<hbm>>
      %dma_start3A_167 = tpu.memref_slice %arg3[%mul3A_8] : memref<819200xi32, #tpu.memory_space<hbm>> -> memref<12800xi32, #tpu.memory_space<hbm>>
      tpu.enqueue_dma source(%dma_start3A_167 : memref<12800xi32, #tpu.memory_space<hbm>>) target(%arg7 : memref<12800xi32, #tpu.memory_space<vmem>>) target_semaphore(%run_scoped3A : memref<!tpu.dma_semaphore, #tpu.memory_space<semaphore_mem>>)
      %dma_wait3A_168 = tpu.memref_slice %arg3[%mul3A_8] : memref<819200xi32, #tpu.memory_space<hbm>> -> memref<12800xi32, #tpu.memory_space<hbm>>
      %dma_wait3A_169 = tpu.memref_slice %arg3[%mul3A_8] : memref<819200xi32, #tpu.memory_space<hbm>> -> memref<12800xi32, #tpu.memory_space<hbm>>
      tpu.wait_dma2 semaphore(%run_scoped3A : memref<!tpu.dma_semaphore, #tpu.memory_space<semaphore_mem>>) src(%dma_wait3A_169 : memref<12800xi32, #tpu.memory_space<hbm>>) dst(%arg7 : memref<12800xi32, #tpu.memory_space<vmem>>)
      tpu.yield
    }) : () -> ()
    %dma_start3A = arith.constant 0 : i32
    %dma_start3A_9 = arith.constant 0 : i32
    %dma_start3A_10 = arith.constant 0 : i32
    %dma_start3A_11 = arith.constant 0 : i32
    %dma_start3A_12 = tpu.memref_slice %arg8[%dma_start3A, %dma_start3A_10, %dma_start3A_11] : memref<2x200x128xf32, #tpu.memory_space<vmem>> -> memref<1x128x128xf32, #tpu.memory_space<vmem>>
    %dma_start3A_13 = tpu.memref_squeeze %dma_start3A_12 : memref<1x128x128xf32, #tpu.memory_space<vmem>> -> memref<128x128xf32, #tpu.memory_space<vmem>>
    %dma_start3A_14 = arith.constant 0 : i32
    %dma_start3A_15 = tpu.memref_slice %arg6[%dma_start3A_14] : memref<12800xi32, #tpu.memory_space<vmem>> -> memref<128xi32, #tpu.memory_space<vmem>>
    %dma_start3A_16 = arith.constant 0 : i32
    %dma_start3A_17 = arith.constant 0 : i32
    %dma_start3A_18 = tpu.memref_slice %arg4[%dma_start3A_16, %dma_start3A_17] : memref<500000x128xf32, #tpu.memory_space<hbm>> -> memref<500000x128xf32, #tpu.memory_space<hbm>>
    %dma_start3A_19 = tpu.memref_slice %arg10[%dma_start3A_9] : memref<2x!tpu.dma_semaphore, #tpu.memory_space<semaphore_mem>> -> memref<1x!tpu.dma_semaphore, #tpu.memory_space<semaphore_mem>>
    %dma_start3A_20 = tpu.memref_squeeze %dma_start3A_19 : memref<1x!tpu.dma_semaphore, #tpu.memory_space<semaphore_mem>> -> memref<!tpu.dma_semaphore, #tpu.memory_space<semaphore_mem>>
    tpu.enqueue_indirect_dma source(%dma_start3A_18 : memref<500000x128xf32, #tpu.memory_space<hbm>>) target(%dma_start3A_13 : memref<128x128xf32, #tpu.memory_space<vmem>>) offsets(%dma_start3A_15 : memref<128xi32, #tpu.memory_space<vmem>>) semaphore(%dma_start3A_20 : memref<!tpu.dma_semaphore, #tpu.memory_space<semaphore_mem>>)
    %dma_start3A_21 = arith.constant 0 : i32
    %dma_start3A_22 = arith.constant 0 : i32
    %dma_start3A_23 = arith.constant 128 : i32
    %dma_start3A_24 = arith.constant 0 : i32
    %dma_start3A_25 = tpu.memref_slice %arg8[%dma_start3A_21, %dma_start3A_23, %dma_start3A_24] : memref<2x200x128xf32, #tpu.memory_space<vmem>> -> memref<1x72x128xf32, #tpu.memory_space<vmem>>
    %dma_start3A_26 = tpu.memref_squeeze %dma_start3A_25 : memref<1x72x128xf32, #tpu.memory_space<vmem>> -> memref<72x128xf32, #tpu.memory_space<vmem>>
    %dma_start3A_27 = arith.constant 128 : i32
    %dma_start3A_28 = tpu.memref_slice %arg6[%dma_start3A_27] : memref<12800xi32, #tpu.memory_space<vmem>> -> memref<72xi32, #tpu.memory_space<vmem>>
    %dma_start3A_29 = arith.constant 0 : i32
    %dma_start3A_30 = arith.constant 0 : i32
    %dma_start3A_31 = tpu.memref_slice %arg4[%dma_start3A_29, %dma_start3A_30] : memref<500000x128xf32, #tpu.memory_space<hbm>> -> memref<500000x128xf32, #tpu.memory_space<hbm>>
    %dma_start3A_32 = tpu.memref_slice %arg10[%dma_start3A_22] : memref<2x!tpu.dma_semaphore, #tpu.memory_space<semaphore_mem>> -> memref<1x!tpu.dma_semaphore, #tpu.memory_space<semaphore_mem>>
    %dma_start3A_33 = tpu.memref_squeeze %dma_start3A_32 : memref<1x!tpu.dma_semaphore, #tpu.memory_space<semaphore_mem>> -> memref<!tpu.dma_semaphore, #tpu.memory_space<semaphore_mem>>
    tpu.enqueue_indirect_dma source(%dma_start3A_31 : memref<500000x128xf32, #tpu.memory_space<hbm>>) target(%dma_start3A_26 : memref<72x128xf32, #tpu.memory_space<vmem>>) offsets(%dma_start3A_28 : memref<72xi32, #tpu.memory_space<vmem>>) semaphore(%dma_start3A_33 : memref<!tpu.dma_semaphore, #tpu.memory_space<semaphore_mem>>)
    %dma_start3A_34 = arith.constant 1 : i32
    %dma_start3A_35 = arith.constant 1 : i32
    %dma_start3A_36 = arith.constant 0 : i32
    %dma_start3A_37 = arith.constant 0 : i32
    %dma_start3A_38 = tpu.memref_slice %arg8[%dma_start3A_34, %dma_start3A_36, %dma_start3A_37] : memref<2x200x128xf32, #tpu.memory_space<vmem>> -> memref<1x128x128xf32, #tpu.memory_space<vmem>>
    %dma_start3A_39 = tpu.memref_squeeze %dma_start3A_38 : memref<1x128x128xf32, #tpu.memory_space<vmem>> -> memref<128x128xf32, #tpu.memory_space<vmem>>
    %dma_start3A_40 = arith.constant 200 : i32
    %dma_start3A_41 = tpu.memref_slice %arg6[%dma_start3A_40] : memref<12800xi32, #tpu.memory_space<vmem>> -> memref<128xi32, #tpu.memory_space<vmem>>
    %dma_start3A_42 = arith.constant 0 : i32
    %dma_start3A_43 = arith.constant 0 : i32
    %dma_start3A_44 = tpu.memref_slice %arg4[%dma_start3A_42, %dma_start3A_43] : memref<500000x128xf32, #tpu.memory_space<hbm>> -> memref<500000x128xf32, #tpu.memory_space<hbm>>
    %dma_start3A_45 = tpu.memref_slice %arg10[%dma_start3A_35] : memref<2x!tpu.dma_semaphore, #tpu.memory_space<semaphore_mem>> -> memref<1x!tpu.dma_semaphore, #tpu.memory_space<semaphore_mem>>
    %dma_start3A_46 = tpu.memref_squeeze %dma_start3A_45 : memref<1x!tpu.dma_semaphore, #tpu.memory_space<semaphore_mem>> -> memref<!tpu.dma_semaphore, #tpu.memory_space<semaphore_mem>>
    tpu.enqueue_indirect_dma source(%dma_start3A_44 : memref<500000x128xf32, #tpu.memory_space<hbm>>) target(%dma_start3A_39 : memref<128x128xf32, #tpu.memory_space<vmem>>) offsets(%dma_start3A_41 : memref<128xi32, #tpu.memory_space<vmem>>) semaphore(%dma_start3A_46 : memref<!tpu.dma_semaphore, #tpu.memory_space<semaphore_mem>>)
    %dma_start3A_47 = arith.constant 1 : i32
    %dma_start3A_48 = arith.constant 1 : i32
    %dma_start3A_49 = arith.constant 128 : i32
    %dma_start3A_50 = arith.constant 0 : i32
    %dma_start3A_51 = tpu.memref_slice %arg8[%dma_start3A_47, %dma_start3A_49, %dma_start3A_50] : memref<2x200x128xf32, #tpu.memory_space<vmem>> -> memref<1x72x128xf32, #tpu.memory_space<vmem>>
    %dma_start3A_52 = tpu.memref_squeeze %dma_start3A_51 : memref<1x72x128xf32, #tpu.memory_space<vmem>> -> memref<72x128xf32, #tpu.memory_space<vmem>>
    %dma_start3A_53 = arith.constant 328 : i32
    %dma_start3A_54 = tpu.memref_slice %arg6[%dma_start3A_53] : memref<12800xi32, #tpu.memory_space<vmem>> -> memref<72xi32, #tpu.memory_space<vmem>>
    %dma_start3A_55 = arith.constant 0 : i32
    %dma_start3A_56 = arith.constant 0 : i32
    %dma_start3A_57 = tpu.memref_slice %arg4[%dma_start3A_55, %dma_start3A_56] : memref<500000x128xf32, #tpu.memory_space<hbm>> -> memref<500000x128xf32, #tpu.memory_space<hbm>>
    %dma_start3A_58 = tpu.memref_slice %arg10[%dma_start3A_48] : memref<2x!tpu.dma_semaphore, #tpu.memory_space<semaphore_mem>> -> memref<1x!tpu.dma_semaphore, #tpu.memory_space<semaphore_mem>>
    %dma_start3A_59 = tpu.memref_squeeze %dma_start3A_58 : memref<1x!tpu.dma_semaphore, #tpu.memory_space<semaphore_mem>> -> memref<!tpu.dma_semaphore, #tpu.memory_space<semaphore_mem>>
    tpu.enqueue_indirect_dma source(%dma_start3A_57 : memref<500000x128xf32, #tpu.memory_space<hbm>>) target(%dma_start3A_52 : memref<72x128xf32, #tpu.memory_space<vmem>>) offsets(%dma_start3A_54 : memref<72xi32, #tpu.memory_space<vmem>>) semaphore(%dma_start3A_59 : memref<!tpu.dma_semaphore, #tpu.memory_space<semaphore_mem>>)
    %scan3A = arith.constant 0 : i32
    %scan3A_60 = arith.constant 32 : i32
    %scan3A_61 = arith.addi %scan3A, %scan3A_60 : i32
    %scan3A_62 = arith.constant 1 : i32
    scf.for %scan3A_166 = %scan3A to %scan3A_61 step %scan3A_62  : i32 {
      %mul3A_167 = arith.constant 1 : i32
      %mul3A_168 = arith.muli %scan3A_166, %mul3A_167 : i32
      %add3A_169 = arith.constant 0 : i32
      %add3A_170 = arith.addi %add3A_169, %mul3A_168 : i32
      %mul3A_171 = arith.constant 2 : i32
      %mul3A_172 = arith.muli %add3A_170, %mul3A_171 : i32
      %add3A_173 = arith.constant 0 : i32
      %add3A_174 = arith.addi %mul3A_172, %add3A_173 : i32
      %mul3A_175 = arith.constant 200 : i32
      %mul3A_176 = arith.muli %add3A_174, %mul3A_175 : i32
      %dma_wait3A_177 = arith.constant 0 : i32
      %dma_wait3A_178 = arith.constant 0 : i32
      %dma_wait3A_179 = arith.constant 0 : i32
      %dma_wait3A_180 = arith.constant 0 : i32
      %dma_wait3A_181 = tpu.memref_slice %arg8[%dma_wait3A_177, %dma_wait3A_179, %dma_wait3A_180] : memref<2x200x128xf32, #tpu.memory_space<vmem>> -> memref<1x128x128xf32, #tpu.memory_space<vmem>>
      %dma_wait3A_182 = tpu.memref_squeeze %dma_wait3A_181 : memref<1x128x128xf32, #tpu.memory_space<vmem>> -> memref<128x128xf32, #tpu.memory_space<vmem>>
      %dma_wait3A_183 = tpu.memref_slice %arg6[%mul3A_176] : memref<12800xi32, #tpu.memory_space<vmem>> -> memref<128xi32, #tpu.memory_space<vmem>>
      %dma_wait3A_184 = arith.constant 0 : i32
      %dma_wait3A_185 = arith.constant 0 : i32
      %dma_wait3A_186 = tpu.memref_slice %arg4[%dma_wait3A_184, %dma_wait3A_185] : memref<500000x128xf32, #tpu.memory_space<hbm>> -> memref<500000x128xf32, #tpu.memory_space<hbm>>
      %dma_wait3A_187 = tpu.memref_slice %arg10[%dma_wait3A_178] : memref<2x!tpu.dma_semaphore, #tpu.memory_space<semaphore_mem>> -> memref<1x!tpu.dma_semaphore, #tpu.memory_space<semaphore_mem>>
      %dma_wait3A_188 = tpu.memref_squeeze %dma_wait3A_187 : memref<1x!tpu.dma_semaphore, #tpu.memory_space<semaphore_mem>> -> memref<!tpu.dma_semaphore, #tpu.memory_space<semaphore_mem>>
      tpu.wait_indirect_dma semaphore(%dma_wait3A_188 : memref<!tpu.dma_semaphore, #tpu.memory_space<semaphore_mem>>) src(%dma_wait3A_186 : memref<500000x128xf32, #tpu.memory_space<hbm>>) dst(%dma_wait3A_182 : memref<128x128xf32, #tpu.memory_space<vmem>>)
      %mul3A_189 = arith.constant 200 : i32
      %mul3A_190 = arith.muli %add3A_174, %mul3A_189 : i32
      %add3A_191 = arith.constant 128 : i32
      %add3A_192 = arith.addi %mul3A_190, %add3A_191 : i32
      %dma_wait3A_193 = arith.constant 0 : i32
      %dma_wait3A_194 = arith.constant 0 : i32
      %dma_wait3A_195 = arith.constant 128 : i32
      %dma_wait3A_196 = arith.constant 0 : i32
      %dma_wait3A_197 = tpu.memref_slice %arg8[%dma_wait3A_193, %dma_wait3A_195, %dma_wait3A_196] : memref<2x200x128xf32, #tpu.memory_space<vmem>> -> memref<1x72x128xf32, #tpu.memory_space<vmem>>
      %dma_wait3A_198 = tpu.memref_squeeze %dma_wait3A_197 : memref<1x72x128xf32, #tpu.memory_space<vmem>> -> memref<72x128xf32, #tpu.memory_space<vmem>>
      %dma_wait3A_199 = tpu.memref_slice %arg6[%add3A_192] : memref<12800xi32, #tpu.memory_space<vmem>> -> memref<72xi32, #tpu.memory_space<vmem>>
      %dma_wait3A_200 = arith.constant 0 : i32
      %dma_wait3A_201 = arith.constant 0 : i32
      %dma_wait3A_202 = tpu.memref_slice %arg4[%dma_wait3A_200, %dma_wait3A_201] : memref<500000x128xf32, #tpu.memory_space<hbm>> -> memref<500000x128xf32, #tpu.memory_space<hbm>>
      %dma_wait3A_203 = tpu.memref_slice %arg10[%dma_wait3A_194] : memref<2x!tpu.dma_semaphore, #tpu.memory_space<semaphore_mem>> -> memref<1x!tpu.dma_semaphore, #tpu.memory_space<semaphore_mem>>
      %dma_wait3A_204 = tpu.memref_squeeze %dma_wait3A_203 : memref<1x!tpu.dma_semaphore, #tpu.memory_space<semaphore_mem>> -> memref<!tpu.dma_semaphore, #tpu.memory_space<semaphore_mem>>
      tpu.wait_indirect_dma semaphore(%dma_wait3A_204 : memref<!tpu.dma_semaphore, #tpu.memory_space<semaphore_mem>>) src(%dma_wait3A_202 : memref<500000x128xf32, #tpu.memory_space<hbm>>) dst(%dma_wait3A_198 : memref<72x128xf32, #tpu.memory_space<vmem>>)
      %gt3A = arith.constant 0 : i32
      %gt3A_205 = arith.cmpi sgt, %add3A_170, %gt3A : i32
      %or3A = arith.constant false
      %or3A_206 = arith.ori %gt3A_205, %or3A : i1
      %convert_element_type3A = arith.extui %or3A_206 : i1 to i32
      %cond3A = arith.constant 0 : i32
      %cond3A_207 = arith.cmpi ne, %convert_element_type3A, %cond3A : i32
      scf.if %cond3A_207 {
        %dma_wait3A_310 = arith.constant 0 : i32
        %dma_wait3A_311 = arith.constant 0 : i32
        %dma_wait3A_312 = arith.constant 0 : i32
        %dma_wait3A_313 = arith.constant 0 : i32
        %dma_wait3A_314 = tpu.memref_slice %arg9[%dma_wait3A_310, %dma_wait3A_312, %dma_wait3A_313] : memref<2x200x64xf32, #tpu.memory_space<vmem>> -> memref<1x200x64xf32, #tpu.memory_space<vmem>>
        %dma_wait3A_315 = tpu.memref_squeeze %dma_wait3A_314 : memref<1x200x64xf32, #tpu.memory_space<vmem>> -> memref<200x64xf32, #tpu.memory_space<vmem>>
        %dma_wait3A_316 = arith.constant 0 : i32
        %dma_wait3A_317 = arith.constant 0 : i32
        %dma_wait3A_318 = tpu.memref_slice %arg5[%mul3A_2, %dma_wait3A_316, %dma_wait3A_317] : memref<4096x200x64xf32, #tpu.memory_space<hbm>> -> memref<1x200x64xf32, #tpu.memory_space<hbm>>
        %dma_wait3A_319 = tpu.memref_squeeze %dma_wait3A_318 : memref<1x200x64xf32, #tpu.memory_space<hbm>> -> memref<200x64xf32, #tpu.memory_space<hbm>>
        %dma_wait3A_320 = tpu.memref_slice %arg11[%dma_wait3A_311] : memref<2x!tpu.dma_semaphore, #tpu.memory_space<semaphore_mem>> -> memref<1x!tpu.dma_semaphore, #tpu.memory_space<semaphore_mem>>
        %dma_wait3A_321 = tpu.memref_squeeze %dma_wait3A_320 : memref<1x!tpu.dma_semaphore, #tpu.memory_space<semaphore_mem>> -> memref<!tpu.dma_semaphore, #tpu.memory_space<semaphore_mem>>
        %dma_wait3A_322 = arith.constant 0 : i32
        %dma_wait3A_323 = arith.constant 0 : i32
        %dma_wait3A_324 = tpu.memref_slice %arg5[%mul3A_2, %dma_wait3A_322, %dma_wait3A_323] : memref<4096x200x64xf32, #tpu.memory_space<hbm>> -> memref<1x200x64xf32, #tpu.memory_space<hbm>>
        %dma_wait3A_325 = tpu.memref_squeeze %dma_wait3A_324 : memref<1x200x64xf32, #tpu.memory_space<hbm>> -> memref<200x64xf32, #tpu.memory_space<hbm>>
        %dma_wait3A_326 = arith.constant 0 : i32
        %dma_wait3A_327 = arith.constant 0 : i32
        %dma_wait3A_328 = tpu.memref_slice %arg9[%dma_wait3A_310, %dma_wait3A_326, %dma_wait3A_327] : memref<2x200x64xf32, #tpu.memory_space<vmem>> -> memref<1x200x64xf32, #tpu.memory_space<vmem>>
        %dma_wait3A_329 = tpu.memref_squeeze %dma_wait3A_328 : memref<1x200x64xf32, #tpu.memory_space<vmem>> -> memref<200x64xf32, #tpu.memory_space<vmem>>
        tpu.wait_dma2 semaphore(%dma_wait3A_321 : memref<!tpu.dma_semaphore, #tpu.memory_space<semaphore_mem>>) src(%dma_wait3A_329 : memref<200x64xf32, #tpu.memory_space<vmem>>) dst(%dma_wait3A_325 : memref<200x64xf32, #tpu.memory_space<hbm>>)
      } else {
      }
      %scan3A_208 = arith.constant 0 : i32
      %scan3A_209 = arith.constant 200 : i32
      %scan3A_210 = arith.addi %scan3A_208, %scan3A_209 : i32
      %scan3A_211 = arith.constant 1 : i32
      scf.for %scan3A_310 = %scan3A_208 to %scan3A_210 step %scan3A_211  : i32 {
        %mul3A_311 = arith.constant 1 : i32
        %mul3A_312 = arith.muli %scan3A_310, %mul3A_311 : i32
        %add3A_313 = arith.constant 0 : i32
        %add3A_314 = arith.addi %add3A_313, %mul3A_312 : i32
        %mul3A_315 = arith.constant 200 : i32
        %mul3A_316 = arith.muli %add3A_174, %mul3A_315 : i32
        %add3A_317 = arith.addi %mul3A_316, %add3A_314 : i32
        %get3A = arith.index_cast %add3A_317 : i32 to index
        %get3A_318 = tpu.vector_load %arg7[%get3A] {strides = array<i32>} : memref<12800xi32, #tpu.memory_space<vmem>>, vector<1xi32>,
        %get3A_319 = vector.shape_cast %get3A_318 : vector<1xi32> to vector<1xi32>
        %squeeze3A = vector.extract %get3A_319[0] : i32 from vector<1xi32>
        %and3A = arith.constant 1 : i32
        %and3A_320 = arith.andi %squeeze3A, %and3A : i32
        %mul3A_321 = arith.constant 64 : i32
        %mul3A_322 = arith.muli %and3A_320, %mul3A_321 : i32
        %add3A_323 = arith.constant 0 : i32
        %add3A_324 = arith.addi %mul3A_322, %add3A_323 : i32
        %get3A_325 = arith.constant 0 : i32
        %get3A_326 = arith.index_cast %get3A_325 : i32 to index
        %get3A_327 = arith.index_cast %add3A_314 : i32 to index
        %get3A_328 = arith.index_cast %add3A_324 : i32 to index
        %get3A_329 = tpu.vector_load %arg8[%get3A_326, %get3A_327, %get3A_328] {strides = array<i32>} : memref<2x200x128xf32, #tpu.memory_space<vmem>>, vector<1x1x16xf32>,
        %get3A_330 = vector.shape_cast %get3A_329 : vector<1x1x16xf32> to vector<16xf32>
        %mul3A_331 = arith.constant 8.000000e+00 : f32
        %mul3A_332 = vector.broadcast %mul3A_331 : f32 to vector<16xf32>
        %mul3A_333 = arith.mulf %get3A_330, %mul3A_332 : vector<16xf32>
        %swap3A = arith.constant 0 : i32
        %swap3A_334 = arith.index_cast %swap3A : i32 to index
        %swap3A_335 = arith.index_cast %add3A_314 : i32 to index
        %swap3A_336 = arith.constant 0 : index
        %swap3A_337 = tpu.vector_load %arg9[%swap3A_334, %swap3A_335, %swap3A_336] {strides = array<i32>} : memref<2x200x64xf32, #tpu.memory_space<vmem>>, vector<1x1x16xf32>,
        %swap3A_338 = vector.shape_cast %swap3A_337 : vector<1x1x16xf32> to vector<16xf32>
        %swap3A_339 = vector.shape_cast %mul3A_333 : vector<16xf32> to vector<1x1x16xf32>
        tpu.vector_store %arg9[%swap3A_334, %swap3A_335, %swap3A_336], %swap3A_339 {strides = array<i32>} : memref<2x200x64xf32, #tpu.memory_space<vmem>>, vector<1x1x16xf32>,
        %add3A_340 = arith.constant 16 : i32
        %add3A_341 = arith.addi %mul3A_322, %add3A_340 : i32
        %get3A_342 = arith.constant 0 : i32
        %get3A_343 = arith.index_cast %get3A_342 : i32 to index
        %get3A_344 = arith.index_cast %add3A_314 : i32 to index
        %get3A_345 = arith.index_cast %add3A_341 : i32 to index
        %get3A_346 = tpu.vector_load %arg8[%get3A_343, %get3A_344, %get3A_345] {strides = array<i32>} : memref<2x200x128xf32, #tpu.memory_space<vmem>>, vector<1x1x16xf32>,
        %get3A_347 = vector.shape_cast %get3A_346 : vector<1x1x16xf32> to vector<16xf32>
        %mul3A_348 = arith.constant 8.000000e+00 : f32
        %mul3A_349 = vector.broadcast %mul3A_348 : f32 to vector<16xf32>
        %mul3A_350 = arith.mulf %get3A_347, %mul3A_349 : vector<16xf32>
        %swap3A_351 = arith.constant 0 : i32
        %swap3A_352 = arith.index_cast %swap3A_351 : i32 to index
        %swap3A_353 = arith.index_cast %add3A_314 : i32 to index
        %swap3A_354 = arith.constant 16 : index
        %swap3A_355 = tpu.vector_load %arg9[%swap3A_352, %swap3A_353, %swap3A_354] {strides = array<i32>} : memref<2x200x64xf32, #tpu.memory_space<vmem>>, vector<1x1x16xf32>,
        %swap3A_356 = vector.shape_cast %swap3A_355 : vector<1x1x16xf32> to vector<16xf32>
        %swap3A_357 = vector.shape_cast %mul3A_350 : vector<16xf32> to vector<1x1x16xf32>
        tpu.vector_store %arg9[%swap3A_352, %swap3A_353, %swap3A_354], %swap3A_357 {strides = array<i32>} : memref<2x200x64xf32, #tpu.memory_space<vmem>>, vector<1x1x16xf32>,
        %add3A_358 = arith.constant 32 : i32
        %add3A_359 = arith.addi %mul3A_322, %add3A_358 : i32
        %get3A_360 = arith.constant 0 : i32
        %get3A_361 = arith.index_cast %get3A_360 : i32 to index
        %get3A_362 = arith.index_cast %add3A_314 : i32 to index
        %get3A_363 = arith.index_cast %add3A_359 : i32 to index
        %get3A_364 = tpu.vector_load %arg8[%get3A_361, %get3A_362, %get3A_363] {strides = array<i32>} : memref<2x200x128xf32, #tpu.memory_space<vmem>>, vector<1x1x16xf32>,
        %get3A_365 = vector.shape_cast %get3A_364 : vector<1x1x16xf32> to vector<16xf32>
        %mul3A_366 = arith.constant 8.000000e+00 : f32
        %mul3A_367 = vector.broadcast %mul3A_366 : f32 to vector<16xf32>
        %mul3A_368 = arith.mulf %get3A_365, %mul3A_367 : vector<16xf32>
        %swap3A_369 = arith.constant 0 : i32
        %swap3A_370 = arith.index_cast %swap3A_369 : i32 to index
        %swap3A_371 = arith.index_cast %add3A_314 : i32 to index
        %swap3A_372 = arith.constant 32 : index
        %swap3A_373 = tpu.vector_load %arg9[%swap3A_370, %swap3A_371, %swap3A_372] {strides = array<i32>} : memref<2x200x64xf32, #tpu.memory_space<vmem>>, vector<1x1x16xf32>,
        %swap3A_374 = vector.shape_cast %swap3A_373 : vector<1x1x16xf32> to vector<16xf32>
        %swap3A_375 = vector.shape_cast %mul3A_368 : vector<16xf32> to vector<1x1x16xf32>
        tpu.vector_store %arg9[%swap3A_370, %swap3A_371, %swap3A_372], %swap3A_375 {strides = array<i32>} : memref<2x200x64xf32, #tpu.memory_space<vmem>>, vector<1x1x16xf32>,
        %add3A_376 = arith.constant 48 : i32
        %add3A_377 = arith.addi %mul3A_322, %add3A_376 : i32
        %get3A_378 = arith.constant 0 : i32
        %get3A_379 = arith.index_cast %get3A_378 : i32 to index
        %get3A_380 = arith.index_cast %add3A_314 : i32 to index
        %get3A_381 = arith.index_cast %add3A_377 : i32 to index
        %get3A_382 = tpu.vector_load %arg8[%get3A_379, %get3A_380, %get3A_381] {strides = array<i32>} : memref<2x200x128xf32, #tpu.memory_space<vmem>>, vector<1x1x16xf32>,
        %get3A_383 = vector.shape_cast %get3A_382 : vector<1x1x16xf32> to vector<16xf32>
        %mul3A_384 = arith.constant 8.000000e+00 : f32
        %mul3A_385 = vector.broadcast %mul3A_384 : f32 to vector<16xf32>
        %mul3A_386 = arith.mulf %get3A_383, %mul3A_385 : vector<16xf32>
        %swap3A_387 = arith.constant 0 : i32
        %swap3A_388 = arith.index_cast %swap3A_387 : i32 to index
        %swap3A_389 = arith.index_cast %add3A_314 : i32 to index
        %swap3A_390 = arith.constant 48 : index
        %swap3A_391 = tpu.vector_load %arg9[%swap3A_388, %swap3A_389, %swap3A_390] {strides = array<i32>} : memref<2x200x64xf32, #tpu.memory_space<vmem>>, vector<1x1x16xf32>,
        %swap3A_392 = vector.shape_cast %swap3A_391 : vector<1x1x16xf32> to vector<16xf32>
        %swap3A_393 = vector.shape_cast %mul3A_386 : vector<16xf32> to vector<1x1x16xf32>
        tpu.vector_store %arg9[%swap3A_388, %swap3A_389, %swap3A_390], %swap3A_393 {strides = array<i32>} : memref<2x200x64xf32, #tpu.memory_space<vmem>>, vector<1x1x16xf32>,
      }
      %scan3A_212 = arith.constant 200 : i32
      %add3A_213 = arith.addi %add3A_4, %add3A_174 : i32
      %dma_start3A_214 = arith.constant 0 : i32
      %dma_start3A_215 = arith.constant 0 : i32
      %dma_start3A_216 = arith.constant 0 : i32
      %dma_start3A_217 = arith.constant 0 : i32
      %dma_start3A_218 = tpu.memref_slice %arg9[%dma_start3A_214, %dma_start3A_216, %dma_start3A_217] : memref<2x200x64xf32, #tpu.memory_space<vmem>> -> memref<1x200x64xf32, #tpu.memory_space<vmem>>
      %dma_start3A_219 = tpu.memref_squeeze %dma_start3A_218 : memref<1x200x64xf32, #tpu.memory_space<vmem>> -> memref<200x64xf32, #tpu.memory_space<vmem>>
      %dma_start3A_220 = arith.constant 0 : i32
      %dma_start3A_221 = arith.constant 0 : i32
      %dma_start3A_222 = tpu.memref_slice %arg5[%add3A_213, %dma_start3A_220, %dma_start3A_221] : memref<4096x200x64xf32, #tpu.memory_space<hbm>> -> memref<1x200x64xf32, #tpu.memory_space<hbm>>
      %dma_start3A_223 = tpu.memref_squeeze %dma_start3A_222 : memref<1x200x64xf32, #tpu.memory_space<hbm>> -> memref<200x64xf32, #tpu.memory_space<hbm>>
      %dma_start3A_224 = tpu.memref_slice %arg11[%dma_start3A_215] : memref<2x!tpu.dma_semaphore, #tpu.memory_space<semaphore_mem>> -> memref<1x!tpu.dma_semaphore, #tpu.memory_space<semaphore_mem>>
      %dma_start3A_225 = tpu.memref_squeeze %dma_start3A_224 : memref<1x!tpu.dma_semaphore, #tpu.memory_space<semaphore_mem>> -> memref<!tpu.dma_semaphore, #tpu.memory_space<semaphore_mem>>
      %dma_start3A_226 = arith.constant 0 : i32
      %dma_start3A_227 = arith.constant 0 : i32
      %dma_start3A_228 = tpu.memref_slice %arg5[%add3A_213, %dma_start3A_226, %dma_start3A_227] : memref<4096x200x64xf32, #tpu.memory_space<hbm>> -> memref<1x200x64xf32, #tpu.memory_space<hbm>>
      %dma_start3A_229 = tpu.memref_squeeze %dma_start3A_228 : memref<1x200x64xf32, #tpu.memory_space<hbm>> -> memref<200x64xf32, #tpu.memory_space<hbm>>
      %dma_start3A_230 = arith.constant 0 : i32
      %dma_start3A_231 = arith.constant 0 : i32
      %dma_start3A_232 = tpu.memref_slice %arg9[%dma_start3A_214, %dma_start3A_230, %dma_start3A_231] : memref<2x200x64xf32, #tpu.memory_space<vmem>> -> memref<1x200x64xf32, #tpu.memory_space<vmem>>
      %dma_start3A_233 = tpu.memref_squeeze %dma_start3A_232 : memref<1x200x64xf32, #tpu.memory_space<vmem>> -> memref<200x64xf32, #tpu.memory_space<vmem>>
      tpu.enqueue_dma source(%dma_start3A_233 : memref<200x64xf32, #tpu.memory_space<vmem>>) target(%dma_start3A_229 : memref<200x64xf32, #tpu.memory_space<hbm>>) target_semaphore(%dma_start3A_225 : memref<!tpu.dma_semaphore, #tpu.memory_space<semaphore_mem>>)
      %lt3A = arith.constant 31 : i32
      %lt3A_234 = arith.cmpi slt, %add3A_170, %lt3A : i32
      %convert_element_type3A_235 = arith.extui %lt3A_234 : i1 to i32
      %cond3A_236 = arith.constant 0 : i32
      %cond3A_237 = arith.cmpi ne, %convert_element_type3A_235, %cond3A_236 : i32
      scf.if %cond3A_237 {
        %add3A_310 = arith.constant 2 : i32
        %add3A_311 = arith.addi %add3A_174, %add3A_310 : i32
        %mul3A_312 = arith.constant 200 : i32
        %mul3A_313 = arith.muli %add3A_311, %mul3A_312 : i32
        %dma_start3A_314 = arith.constant 0 : i32
        %dma_start3A_315 = arith.constant 0 : i32
        %dma_start3A_316 = arith.constant 0 : i32
        %dma_start3A_317 = arith.constant 0 : i32
        %dma_start3A_318 = tpu.memref_slice %arg8[%dma_start3A_314, %dma_start3A_316, %dma_start3A_317] : memref<2x200x128xf32, #tpu.memory_space<vmem>> -> memref<1x128x128xf32, #tpu.memory_space<vmem>>
        %dma_start3A_319 = tpu.memref_squeeze %dma_start3A_318 : memref<1x128x128xf32, #tpu.memory_space<vmem>> -> memref<128x128xf32, #tpu.memory_space<vmem>>
        %dma_start3A_320 = tpu.memref_slice %arg6[%mul3A_313] : memref<12800xi32, #tpu.memory_space<vmem>> -> memref<128xi32, #tpu.memory_space<vmem>>
        %dma_start3A_321 = arith.constant 0 : i32
        %dma_start3A_322 = arith.constant 0 : i32
        %dma_start3A_323 = tpu.memref_slice %arg4[%dma_start3A_321, %dma_start3A_322] : memref<500000x128xf32, #tpu.memory_space<hbm>> -> memref<500000x128xf32, #tpu.memory_space<hbm>>
        %dma_start3A_324 = tpu.memref_slice %arg10[%dma_start3A_315] : memref<2x!tpu.dma_semaphore, #tpu.memory_space<semaphore_mem>> -> memref<1x!tpu.dma_semaphore, #tpu.memory_space<semaphore_mem>>
        %dma_start3A_325 = tpu.memref_squeeze %dma_start3A_324 : memref<1x!tpu.dma_semaphore, #tpu.memory_space<semaphore_mem>> -> memref<!tpu.dma_semaphore, #tpu.memory_space<semaphore_mem>>
        tpu.enqueue_indirect_dma source(%dma_start3A_323 : memref<500000x128xf32, #tpu.memory_space<hbm>>) target(%dma_start3A_319 : memref<128x128xf32, #tpu.memory_space<vmem>>) offsets(%dma_start3A_320 : memref<128xi32, #tpu.memory_space<vmem>>) semaphore(%dma_start3A_325 : memref<!tpu.dma_semaphore, #tpu.memory_space<semaphore_mem>>)
        %mul3A_326 = arith.constant 200 : i32
        %mul3A_327 = arith.muli %add3A_311, %mul3A_326 : i32
        %add3A_328 = arith.constant 128 : i32
        %add3A_329 = arith.addi %mul3A_327, %add3A_328 : i32
        %dma_start3A_330 = arith.constant 0 : i32
        %dma_start3A_331 = arith.constant 0 : i32
        %dma_start3A_332 = arith.constant 128 : i32
        %dma_start3A_333 = arith.constant 0 : i32
        %dma_start3A_334 = tpu.memref_slice %arg8[%dma_start3A_330, %dma_start3A_332, %dma_start3A_333] : memref<2x200x128xf32, #tpu.memory_space<vmem>> -> memref<1x72x128xf32, #tpu.memory_space<vmem>>
        %dma_start3A_335 = tpu.memref_squeeze %dma_start3A_334 : memref<1x72x128xf32, #tpu.memory_space<vmem>> -> memref<72x128xf32, #tpu.memory_space<vmem>>
        %dma_start3A_336 = tpu.memref_slice %arg6[%add3A_329] : memref<12800xi32, #tpu.memory_space<vmem>> -> memref<72xi32, #tpu.memory_space<vmem>>
        %dma_start3A_337 = arith.constant 0 : i32
        %dma_start3A_338 = arith.constant 0 : i32
        %dma_start3A_339 = tpu.memref_slice %arg4[%dma_start3A_337, %dma_start3A_338] : memref<500000x128xf32, #tpu.memory_space<hbm>> -> memref<500000x128xf32, #tpu.memory_space<hbm>>
        %dma_start3A_340 = tpu.memref_slice %arg10[%dma_start3A_331] : memref<2x!tpu.dma_semaphore, #tpu.memory_space<semaphore_mem>> -> memref<1x!tpu.dma_semaphore, #tpu.memory_space<semaphore_mem>>
        %dma_start3A_341 = tpu.memref_squeeze %dma_start3A_340 : memref<1x!tpu.dma_semaphore, #tpu.memory_space<semaphore_mem>> -> memref<!tpu.dma_semaphore, #tpu.memory_space<semaphore_mem>>
        tpu.enqueue_indirect_dma source(%dma_start3A_339 : memref<500000x128xf32, #tpu.memory_space<hbm>>) target(%dma_start3A_335 : memref<72x128xf32, #tpu.memory_space<vmem>>) offsets(%dma_start3A_336 : memref<72xi32, #tpu.memory_space<vmem>>) semaphore(%dma_start3A_341 : memref<!tpu.dma_semaphore, #tpu.memory_space<semaphore_mem>>)
      } else {
      }
      %mul3A_238 = arith.constant 2 : i32
      %mul3A_239 = arith.muli %add3A_170, %mul3A_238 : i32
      %add3A_240 = arith.constant 1 : i32
      %add3A_241 = arith.addi %mul3A_239, %add3A_240 : i32
      %mul3A_242 = arith.constant 200 : i32
      %mul3A_243 = arith.muli %add3A_241, %mul3A_242 : i32
      %dma_wait3A_244 = arith.constant 1 : i32
      %dma_wait3A_245 = arith.constant 1 : i32
      %dma_wait3A_246 = arith.constant 0 : i32
      %dma_wait3A_247 = arith.constant 0 : i32
      %dma_wait3A_248 = tpu.memref_slice %arg8[%dma_wait3A_244, %dma_wait3A_246, %dma_wait3A_247] : memref<2x200x128xf32, #tpu.memory_space<vmem>> -> memref<1x128x128xf32, #tpu.memory_space<vmem>>
      %dma_wait3A_249 = tpu.memref_squeeze %dma_wait3A_248 : memref<1x128x128xf32, #tpu.memory_space<vmem>> -> memref<128x128xf32, #tpu.memory_space<vmem>>
      %dma_wait3A_250 = tpu.memref_slice %arg6[%mul3A_243] : memref<12800xi32, #tpu.memory_space<vmem>> -> memref<128xi32, #tpu.memory_space<vmem>>
      %dma_wait3A_251 = arith.constant 0 : i32
      %dma_wait3A_252 = arith.constant 0 : i32
      %dma_wait3A_253 = tpu.memref_slice %arg4[%dma_wait3A_251, %dma_wait3A_252] : memref<500000x128xf32, #tpu.memory_space<hbm>> -> memref<500000x128xf32, #tpu.memory_space<hbm>>
      %dma_wait3A_254 = tpu.memref_slice %arg10[%dma_wait3A_245] : memref<2x!tpu.dma_semaphore, #tpu.memory_space<semaphore_mem>> -> memref<1x!tpu.dma_semaphore, #tpu.memory_space<semaphore_mem>>
      %dma_wait3A_255 = tpu.memref_squeeze %dma_wait3A_254 : memref<1x!tpu.dma_semaphore, #tpu.memory_space<semaphore_mem>> -> memref<!tpu.dma_semaphore, #tpu.memory_space<semaphore_mem>>
      tpu.wait_indirect_dma semaphore(%dma_wait3A_255 : memref<!tpu.dma_semaphore, #tpu.memory_space<semaphore_mem>>) src(%dma_wait3A_253 : memref<500000x128xf32, #tpu.memory_space<hbm>>) dst(%dma_wait3A_249 : memref<128x128xf32, #tpu.memory_space<vmem>>)
      %mul3A_256 = arith.constant 200 : i32
      %mul3A_257 = arith.muli %add3A_241, %mul3A_256 : i32
      %add3A_258 = arith.constant 128 : i32
      %add3A_259 = arith.addi %mul3A_257, %add3A_258 : i32
      %dma_wait3A_260 = arith.constant 1 : i32
      %dma_wait3A_261 = arith.constant 1 : i32
      %dma_wait3A_262 = arith.constant 128 : i32
      %dma_wait3A_263 = arith.constant 0 : i32
      %dma_wait3A_264 = tpu.memref_slice %arg8[%dma_wait3A_260, %dma_wait3A_262, %dma_wait3A_263] : memref<2x200x128xf32, #tpu.memory_space<vmem>> -> memref<1x72x128xf32, #tpu.memory_space<vmem>>
      %dma_wait3A_265 = tpu.memref_squeeze %dma_wait3A_264 : memref<1x72x128xf32, #tpu.memory_space<vmem>> -> memref<72x128xf32, #tpu.memory_space<vmem>>
      %dma_wait3A_266 = tpu.memref_slice %arg6[%add3A_259] : memref<12800xi32, #tpu.memory_space<vmem>> -> memref<72xi32, #tpu.memory_space<vmem>>
      %dma_wait3A_267 = arith.constant 0 : i32
      %dma_wait3A_268 = arith.constant 0 : i32
      %dma_wait3A_269 = tpu.memref_slice %arg4[%dma_wait3A_267, %dma_wait3A_268] : memref<500000x128xf32, #tpu.memory_space<hbm>> -> memref<500000x128xf32, #tpu.memory_space<hbm>>
      %dma_wait3A_270 = tpu.memref_slice %arg10[%dma_wait3A_261] : memref<2x!tpu.dma_semaphore, #tpu.memory_space<semaphore_mem>> -> memref<1x!tpu.dma_semaphore, #tpu.memory_space<semaphore_mem>>
      %dma_wait3A_271 = tpu.memref_squeeze %dma_wait3A_270 : memref<1x!tpu.dma_semaphore, #tpu.memory_space<semaphore_mem>> -> memref<!tpu.dma_semaphore, #tpu.memory_space<semaphore_mem>>
      tpu.wait_indirect_dma semaphore(%dma_wait3A_271 : memref<!tpu.dma_semaphore, #tpu.memory_space<semaphore_mem>>) src(%dma_wait3A_269 : memref<500000x128xf32, #tpu.memory_space<hbm>>) dst(%dma_wait3A_265 : memref<72x128xf32, #tpu.memory_space<vmem>>)
      %gt3A_272 = arith.constant 0 : i32
      %gt3A_273 = arith.cmpi sgt, %add3A_170, %gt3A_272 : i32
      %or3A_274 = arith.constant false
      %or3A_275 = arith.ori %gt3A_273, %or3A_274 : i1
      %convert_element_type3A_276 = arith.extui %or3A_275 : i1 to i32
      %cond3A_277 = arith.constant 0 : i32
      %cond3A_278 = arith.cmpi ne, %convert_element_type3A_276, %cond3A_277 : i32
      scf.if %cond3A_278 {
        %dma_wait3A_310 = arith.constant 1 : i32
        %dma_wait3A_311 = arith.constant 1 : i32
        %dma_wait3A_312 = arith.constant 0 : i32
        %dma_wait3A_313 = arith.constant 0 : i32
        %dma_wait3A_314 = tpu.memref_slice %arg9[%dma_wait3A_310, %dma_wait3A_312, %dma_wait3A_313] : memref<2x200x64xf32, #tpu.memory_space<vmem>> -> memref<1x200x64xf32, #tpu.memory_space<vmem>>
        %dma_wait3A_315 = tpu.memref_squeeze %dma_wait3A_314 : memref<1x200x64xf32, #tpu.memory_space<vmem>> -> memref<200x64xf32, #tpu.memory_space<vmem>>
        %dma_wait3A_316 = arith.constant 0 : i32
        %dma_wait3A_317 = arith.constant 0 : i32
        %dma_wait3A_318 = tpu.memref_slice %arg5[%mul3A_2, %dma_wait3A_316, %dma_wait3A_317] : memref<4096x200x64xf32, #tpu.memory_space<hbm>> -> memref<1x200x64xf32, #tpu.memory_space<hbm>>
        %dma_wait3A_319 = tpu.memref_squeeze %dma_wait3A_318 : memref<1x200x64xf32, #tpu.memory_space<hbm>> -> memref<200x64xf32, #tpu.memory_space<hbm>>
        %dma_wait3A_320 = tpu.memref_slice %arg11[%dma_wait3A_311] : memref<2x!tpu.dma_semaphore, #tpu.memory_space<semaphore_mem>> -> memref<1x!tpu.dma_semaphore, #tpu.memory_space<semaphore_mem>>
        %dma_wait3A_321 = tpu.memref_squeeze %dma_wait3A_320 : memref<1x!tpu.dma_semaphore, #tpu.memory_space<semaphore_mem>> -> memref<!tpu.dma_semaphore, #tpu.memory_space<semaphore_mem>>
        %dma_wait3A_322 = arith.constant 0 : i32
        %dma_wait3A_323 = arith.constant 0 : i32
        %dma_wait3A_324 = tpu.memref_slice %arg5[%mul3A_2, %dma_wait3A_322, %dma_wait3A_323] : memref<4096x200x64xf32, #tpu.memory_space<hbm>> -> memref<1x200x64xf32, #tpu.memory_space<hbm>>
        %dma_wait3A_325 = tpu.memref_squeeze %dma_wait3A_324 : memref<1x200x64xf32, #tpu.memory_space<hbm>> -> memref<200x64xf32, #tpu.memory_space<hbm>>
        %dma_wait3A_326 = arith.constant 0 : i32
        %dma_wait3A_327 = arith.constant 0 : i32
        %dma_wait3A_328 = tpu.memref_slice %arg9[%dma_wait3A_310, %dma_wait3A_326, %dma_wait3A_327] : memref<2x200x64xf32, #tpu.memory_space<vmem>> -> memref<1x200x64xf32, #tpu.memory_space<vmem>>
        %dma_wait3A_329 = tpu.memref_squeeze %dma_wait3A_328 : memref<1x200x64xf32, #tpu.memory_space<vmem>> -> memref<200x64xf32, #tpu.memory_space<vmem>>
        tpu.wait_dma2 semaphore(%dma_wait3A_321 : memref<!tpu.dma_semaphore, #tpu.memory_space<semaphore_mem>>) src(%dma_wait3A_329 : memref<200x64xf32, #tpu.memory_space<vmem>>) dst(%dma_wait3A_325 : memref<200x64xf32, #tpu.memory_space<hbm>>)
      } else {
      }
      %scan3A_279 = arith.constant 0 : i32
      %scan3A_280 = arith.constant 200 : i32
      %scan3A_281 = arith.addi %scan3A_279, %scan3A_280 : i32
      %scan3A_282 = arith.constant 1 : i32
      scf.for %scan3A_310 = %scan3A_279 to %scan3A_281 step %scan3A_282  : i32 {
        %mul3A_311 = arith.constant 1 : i32
        %mul3A_312 = arith.muli %scan3A_310, %mul3A_311 : i32
        %add3A_313 = arith.constant 0 : i32
        %add3A_314 = arith.addi %add3A_313, %mul3A_312 : i32
        %mul3A_315 = arith.constant 200 : i32
        %mul3A_316 = arith.muli %add3A_241, %mul3A_315 : i32
        %add3A_317 = arith.addi %mul3A_316, %add3A_314 : i32
        %get3A = arith.index_cast %add3A_317 : i32 to index
        %get3A_318 = tpu.vector_load %arg7[%get3A] {strides = array<i32>} : memref<12800xi32, #tpu.memory_space<vmem>>, vector<1xi32>,
        %get3A_319 = vector.shape_cast %get3A_318 : vector<1xi32> to vector<1xi32>
        %squeeze3A = vector.extract %get3A_319[0] : i32 from vector<1xi32>
        %and3A = arith.constant 1 : i32
        %and3A_320 = arith.andi %squeeze3A, %and3A : i32
        %mul3A_321 = arith.constant 64 : i32
        %mul3A_322 = arith.muli %and3A_320, %mul3A_321 : i32
        %add3A_323 = arith.constant 0 : i32
        %add3A_324 = arith.addi %mul3A_322, %add3A_323 : i32
        %get3A_325 = arith.constant 1 : i32
        %get3A_326 = arith.index_cast %get3A_325 : i32 to index
        %get3A_327 = arith.index_cast %add3A_314 : i32 to index
        %get3A_328 = arith.index_cast %add3A_324 : i32 to index
        %get3A_329 = tpu.vector_load %arg8[%get3A_326, %get3A_327, %get3A_328] {strides = array<i32>} : memref<2x200x128xf32, #tpu.memory_space<vmem>>, vector<1x1x16xf32>,
        %get3A_330 = vector.shape_cast %get3A_329 : vector<1x1x16xf32> to vector<16xf32>
        %mul3A_331 = arith.constant 8.000000e+00 : f32
        %mul3A_332 = vector.broadcast %mul3A_331 : f32 to vector<16xf32>
        %mul3A_333 = arith.mulf %get3A_330, %mul3A_332 : vector<16xf32>
        %swap3A = arith.constant 1 : i32
        %swap3A_334 = arith.index_cast %swap3A : i32 to index
        %swap3A_335 = arith.index_cast %add3A_314 : i32 to index
        %swap3A_336 = arith.constant 0 : index
        %swap3A_337 = tpu.vector_load %arg9[%swap3A_334, %swap3A_335, %swap3A_336] {strides = array<i32>} : memref<2x200x64xf32, #tpu.memory_space<vmem>>, vector<1x1x16xf32>,
        %swap3A_338 = vector.shape_cast %swap3A_337 : vector<1x1x16xf32> to vector<16xf32>
        %swap3A_339 = vector.shape_cast %mul3A_333 : vector<16xf32> to vector<1x1x16xf32>
        tpu.vector_store %arg9[%swap3A_334, %swap3A_335, %swap3A_336], %swap3A_339 {strides = array<i32>} : memref<2x200x64xf32, #tpu.memory_space<vmem>>, vector<1x1x16xf32>,
        %add3A_340 = arith.constant 16 : i32
        %add3A_341 = arith.addi %mul3A_322, %add3A_340 : i32
        %get3A_342 = arith.constant 1 : i32
        %get3A_343 = arith.index_cast %get3A_342 : i32 to index
        %get3A_344 = arith.index_cast %add3A_314 : i32 to index
        %get3A_345 = arith.index_cast %add3A_341 : i32 to index
        %get3A_346 = tpu.vector_load %arg8[%get3A_343, %get3A_344, %get3A_345] {strides = array<i32>} : memref<2x200x128xf32, #tpu.memory_space<vmem>>, vector<1x1x16xf32>,
        %get3A_347 = vector.shape_cast %get3A_346 : vector<1x1x16xf32> to vector<16xf32>
        %mul3A_348 = arith.constant 8.000000e+00 : f32
        %mul3A_349 = vector.broadcast %mul3A_348 : f32 to vector<16xf32>
        %mul3A_350 = arith.mulf %get3A_347, %mul3A_349 : vector<16xf32>
        %swap3A_351 = arith.constant 1 : i32
        %swap3A_352 = arith.index_cast %swap3A_351 : i32 to index
        %swap3A_353 = arith.index_cast %add3A_314 : i32 to index
        %swap3A_354 = arith.constant 16 : index
        %swap3A_355 = tpu.vector_load %arg9[%swap3A_352, %swap3A_353, %swap3A_354] {strides = array<i32>} : memref<2x200x64xf32, #tpu.memory_space<vmem>>, vector<1x1x16xf32>,
        %swap3A_356 = vector.shape_cast %swap3A_355 : vector<1x1x16xf32> to vector<16xf32>
        %swap3A_357 = vector.shape_cast %mul3A_350 : vector<16xf32> to vector<1x1x16xf32>
        tpu.vector_store %arg9[%swap3A_352, %swap3A_353, %swap3A_354], %swap3A_357 {strides = array<i32>} : memref<2x200x64xf32, #tpu.memory_space<vmem>>, vector<1x1x16xf32>,
        %add3A_358 = arith.constant 32 : i32
        %add3A_359 = arith.addi %mul3A_322, %add3A_358 : i32
        %get3A_360 = arith.constant 1 : i32
        %get3A_361 = arith.index_cast %get3A_360 : i32 to index
        %get3A_362 = arith.index_cast %add3A_314 : i32 to index
        %get3A_363 = arith.index_cast %add3A_359 : i32 to index
        %get3A_364 = tpu.vector_load %arg8[%get3A_361, %get3A_362, %get3A_363] {strides = array<i32>} : memref<2x200x128xf32, #tpu.memory_space<vmem>>, vector<1x1x16xf32>,
        %get3A_365 = vector.shape_cast %get3A_364 : vector<1x1x16xf32> to vector<16xf32>
        %mul3A_366 = arith.constant 8.000000e+00 : f32
        %mul3A_367 = vector.broadcast %mul3A_366 : f32 to vector<16xf32>
        %mul3A_368 = arith.mulf %get3A_365, %mul3A_367 : vector<16xf32>
        %swap3A_369 = arith.constant 1 : i32
        %swap3A_370 = arith.index_cast %swap3A_369 : i32 to index
        %swap3A_371 = arith.index_cast %add3A_314 : i32 to index
        %swap3A_372 = arith.constant 32 : index
        %swap3A_373 = tpu.vector_load %arg9[%swap3A_370, %swap3A_371, %swap3A_372] {strides = array<i32>} : memref<2x200x64xf32, #tpu.memory_space<vmem>>, vector<1x1x16xf32>,
        %swap3A_374 = vector.shape_cast %swap3A_373 : vector<1x1x16xf32> to vector<16xf32>
        %swap3A_375 = vector.shape_cast %mul3A_368 : vector<16xf32> to vector<1x1x16xf32>
        tpu.vector_store %arg9[%swap3A_370, %swap3A_371, %swap3A_372], %swap3A_375 {strides = array<i32>} : memref<2x200x64xf32, #tpu.memory_space<vmem>>, vector<1x1x16xf32>,
        %add3A_376 = arith.constant 48 : i32
        %add3A_377 = arith.addi %mul3A_322, %add3A_376 : i32
        %get3A_378 = arith.constant 1 : i32
        %get3A_379 = arith.index_cast %get3A_378 : i32 to index
        %get3A_380 = arith.index_cast %add3A_314 : i32 to index
        %get3A_381 = arith.index_cast %add3A_377 : i32 to index
        %get3A_382 = tpu.vector_load %arg8[%get3A_379, %get3A_380, %get3A_381] {strides = array<i32>} : memref<2x200x128xf32, #tpu.memory_space<vmem>>, vector<1x1x16xf32>,
        %get3A_383 = vector.shape_cast %get3A_382 : vector<1x1x16xf32> to vector<16xf32>
        %mul3A_384 = arith.constant 8.000000e+00 : f32
        %mul3A_385 = vector.broadcast %mul3A_384 : f32 to vector<16xf32>
        %mul3A_386 = arith.mulf %get3A_383, %mul3A_385 : vector<16xf32>
        %swap3A_387 = arith.constant 1 : i32
        %swap3A_388 = arith.index_cast %swap3A_387 : i32 to index
        %swap3A_389 = arith.index_cast %add3A_314 : i32 to index
        %swap3A_390 = arith.constant 48 : index
        %swap3A_391 = tpu.vector_load %arg9[%swap3A_388, %swap3A_389, %swap3A_390] {strides = array<i32>} : memref<2x200x64xf32, #tpu.memory_space<vmem>>, vector<1x1x16xf32>,
        %swap3A_392 = vector.shape_cast %swap3A_391 : vector<1x1x16xf32> to vector<16xf32>
        %swap3A_393 = vector.shape_cast %mul3A_386 : vector<16xf32> to vector<1x1x16xf32>
        tpu.vector_store %arg9[%swap3A_388, %swap3A_389, %swap3A_390], %swap3A_393 {strides = array<i32>} : memref<2x200x64xf32, #tpu.memory_space<vmem>>, vector<1x1x16xf32>,
      }
      %scan3A_283 = arith.constant 200 : i32
      %add3A_284 = arith.addi %add3A_4, %add3A_241 : i32
      %dma_start3A_285 = arith.constant 1 : i32
      %dma_start3A_286 = arith.constant 1 : i32
      %dma_start3A_287 = arith.constant 0 : i32
      %dma_start3A_288 = arith.constant 0 : i32
      %dma_start3A_289 = tpu.memref_slice %arg9[%dma_start3A_285, %dma_start3A_287, %dma_start3A_288] : memref<2x200x64xf32, #tpu.memory_space<vmem>> -> memref<1x200x64xf32, #tpu.memory_space<vmem>>
      %dma_start3A_290 = tpu.memref_squeeze %dma_start3A_289 : memref<1x200x64xf32, #tpu.memory_space<vmem>> -> memref<200x64xf32, #tpu.memory_space<vmem>>
      %dma_start3A_291 = arith.constant 0 : i32
      %dma_start3A_292 = arith.constant 0 : i32
      %dma_start3A_293 = tpu.memref_slice %arg5[%add3A_284, %dma_start3A_291, %dma_start3A_292] : memref<4096x200x64xf32, #tpu.memory_space<hbm>> -> memref<1x200x64xf32, #tpu.memory_space<hbm>>
      %dma_start3A_294 = tpu.memref_squeeze %dma_start3A_293 : memref<1x200x64xf32, #tpu.memory_space<hbm>> -> memref<200x64xf32, #tpu.memory_space<hbm>>
      %dma_start3A_295 = tpu.memref_slice %arg11[%dma_start3A_286] : memref<2x!tpu.dma_semaphore, #tpu.memory_space<semaphore_mem>> -> memref<1x!tpu.dma_semaphore, #tpu.memory_space<semaphore_mem>>
      %dma_start3A_296 = tpu.memref_squeeze %dma_start3A_295 : memref<1x!tpu.dma_semaphore, #tpu.memory_space<semaphore_mem>> -> memref<!tpu.dma_semaphore, #tpu.memory_space<semaphore_mem>>
      %dma_start3A_297 = arith.constant 0 : i32
      %dma_start3A_298 = arith.constant 0 : i32
      %dma_start3A_299 = tpu.memref_slice %arg5[%add3A_284, %dma_start3A_297, %dma_start3A_298] : memref<4096x200x64xf32, #tpu.memory_space<hbm>> -> memref<1x200x64xf32, #tpu.memory_space<hbm>>
      %dma_start3A_300 = tpu.memref_squeeze %dma_start3A_299 : memref<1x200x64xf32, #tpu.memory_space<hbm>> -> memref<200x64xf32, #tpu.memory_space<hbm>>
      %dma_start3A_301 = arith.constant 0 : i32
      %dma_start3A_302 = arith.constant 0 : i32
      %dma_start3A_303 = tpu.memref_slice %arg9[%dma_start3A_285, %dma_start3A_301, %dma_start3A_302] : memref<2x200x64xf32, #tpu.memory_space<vmem>> -> memref<1x200x64xf32, #tpu.memory_space<vmem>>
      %dma_start3A_304 = tpu.memref_squeeze %dma_start3A_303 : memref<1x200x64xf32, #tpu.memory_space<vmem>> -> memref<200x64xf32, #tpu.memory_space<vmem>>
      tpu.enqueue_dma source(%dma_start3A_304 : memref<200x64xf32, #tpu.memory_space<vmem>>) target(%dma_start3A_300 : memref<200x64xf32, #tpu.memory_space<hbm>>) target_semaphore(%dma_start3A_296 : memref<!tpu.dma_semaphore, #tpu.memory_space<semaphore_mem>>)
      %lt3A_305 = arith.constant 31 : i32
      %lt3A_306 = arith.cmpi slt, %add3A_170, %lt3A_305 : i32
      %convert_element_type3A_307 = arith.extui %lt3A_306 : i1 to i32
      %cond3A_308 = arith.constant 0 : i32
      %cond3A_309 = arith.cmpi ne, %convert_element_type3A_307, %cond3A_308 : i32
      scf.if %cond3A_309 {
        %add3A_310 = arith.constant 2 : i32
        %add3A_311 = arith.addi %add3A_241, %add3A_310 : i32
        %mul3A_312 = arith.constant 200 : i32
        %mul3A_313 = arith.muli %add3A_311, %mul3A_312 : i32
        %dma_start3A_314 = arith.constant 1 : i32
        %dma_start3A_315 = arith.constant 1 : i32
        %dma_start3A_316 = arith.constant 0 : i32
        %dma_start3A_317 = arith.constant 0 : i32
        %dma_start3A_318 = tpu.memref_slice %arg8[%dma_start3A_314, %dma_start3A_316, %dma_start3A_317] : memref<2x200x128xf32, #tpu.memory_space<vmem>> -> memref<1x128x128xf32, #tpu.memory_space<vmem>>
        %dma_start3A_319 = tpu.memref_squeeze %dma_start3A_318 : memref<1x128x128xf32, #tpu.memory_space<vmem>> -> memref<128x128xf32, #tpu.memory_space<vmem>>
        %dma_start3A_320 = tpu.memref_slice %arg6[%mul3A_313] : memref<12800xi32, #tpu.memory_space<vmem>> -> memref<128xi32, #tpu.memory_space<vmem>>
        %dma_start3A_321 = arith.constant 0 : i32
        %dma_start3A_322 = arith.constant 0 : i32
        %dma_start3A_323 = tpu.memref_slice %arg4[%dma_start3A_321, %dma_start3A_322] : memref<500000x128xf32, #tpu.memory_space<hbm>> -> memref<500000x128xf32, #tpu.memory_space<hbm>>
        %dma_start3A_324 = tpu.memref_slice %arg10[%dma_start3A_315] : memref<2x!tpu.dma_semaphore, #tpu.memory_space<semaphore_mem>> -> memref<1x!tpu.dma_semaphore, #tpu.memory_space<semaphore_mem>>
        %dma_start3A_325 = tpu.memref_squeeze %dma_start3A_324 : memref<1x!tpu.dma_semaphore, #tpu.memory_space<semaphore_mem>> -> memref<!tpu.dma_semaphore, #tpu.memory_space<semaphore_mem>>
        tpu.enqueue_indirect_dma source(%dma_start3A_323 : memref<500000x128xf32, #tpu.memory_space<hbm>>) target(%dma_start3A_319 : memref<128x128xf32, #tpu.memory_space<vmem>>) offsets(%dma_start3A_320 : memref<128xi32, #tpu.memory_space<vmem>>) semaphore(%dma_start3A_325 : memref<!tpu.dma_semaphore, #tpu.memory_space<semaphore_mem>>)
        %mul3A_326 = arith.constant 200 : i32
        %mul3A_327 = arith.muli %add3A_311, %mul3A_326 : i32
        %add3A_328 = arith.constant 128 : i32
        %add3A_329 = arith.addi %mul3A_327, %add3A_328 : i32
        %dma_start3A_330 = arith.constant 1 : i32
        %dma_start3A_331 = arith.constant 1 : i32
        %dma_start3A_332 = arith.constant 128 : i32
        %dma_start3A_333 = arith.constant 0 : i32
        %dma_start3A_334 = tpu.memref_slice %arg8[%dma_start3A_330, %dma_start3A_332, %dma_start3A_333] : memref<2x200x128xf32, #tpu.memory_space<vmem>> -> memref<1x72x128xf32, #tpu.memory_space<vmem>>
        %dma_start3A_335 = tpu.memref_squeeze %dma_start3A_334 : memref<1x72x128xf32, #tpu.memory_space<vmem>> -> memref<72x128xf32, #tpu.memory_space<vmem>>
        %dma_start3A_336 = tpu.memref_slice %arg6[%add3A_329] : memref<12800xi32, #tpu.memory_space<vmem>> -> memref<72xi32, #tpu.memory_space<vmem>>
        %dma_start3A_337 = arith.constant 0 : i32
        %dma_start3A_338 = arith.constant 0 : i32
        %dma_start3A_339 = tpu.memref_slice %arg4[%dma_start3A_337, %dma_start3A_338] : memref<500000x128xf32, #tpu.memory_space<hbm>> -> memref<500000x128xf32, #tpu.memory_space<hbm>>
        %dma_start3A_340 = tpu.memref_slice %arg10[%dma_start3A_331] : memref<2x!tpu.dma_semaphore, #tpu.memory_space<semaphore_mem>> -> memref<1x!tpu.dma_semaphore, #tpu.memory_space<semaphore_mem>>
        %dma_start3A_341 = tpu.memref_squeeze %dma_start3A_340 : memref<1x!tpu.dma_semaphore, #tpu.memory_space<semaphore_mem>> -> memref<!tpu.dma_semaphore, #tpu.memory_space<semaphore_mem>>
        tpu.enqueue_indirect_dma source(%dma_start3A_339 : memref<500000x128xf32, #tpu.memory_space<hbm>>) target(%dma_start3A_335 : memref<72x128xf32, #tpu.memory_space<vmem>>) offsets(%dma_start3A_336 : memref<72xi32, #tpu.memory_space<vmem>>) semaphore(%dma_start3A_341 : memref<!tpu.dma_semaphore, #tpu.memory_space<semaphore_mem>>)
      } else {
      }
    }
    %scan3A_63 = arith.constant 32 : i32
    %add3A_64 = arith.constant 64 : i32
    %add3A_65 = arith.addi %mul3A_2, %add3A_64 : i32
    %mul3A_66 = arith.constant 200 : i32
    %mul3A_67 = arith.muli %add3A_65, %mul3A_66 : i32
    "tpu.region"() ({
      %run_scoped3A = tpu.sem_alloc : memref<!tpu.dma_semaphore, #tpu.memory_space<semaphore_mem>>
      %dma_start3A_166 = tpu.memref_slice %arg2[%mul3A_67] : memref<819200xi32, #tpu.memory_space<hbm>> -> memref<12800xi32, #tpu.memory_space<hbm>>
      %dma_start3A_167 = tpu.memref_slice %arg2[%mul3A_67] : memref<819200xi32, #tpu.memory_space<hbm>> -> memref<12800xi32, #tpu.memory_space<hbm>>
      tpu.enqueue_dma source(%dma_start3A_167 : memref<12800xi32, #tpu.memory_space<hbm>>) target(%arg6 : memref<12800xi32, #tpu.memory_space<vmem>>) target_semaphore(%run_scoped3A : memref<!tpu.dma_semaphore, #tpu.memory_space<semaphore_mem>>)
      %dma_wait3A_168 = tpu.memref_slice %arg2[%mul3A_67] : memref<819200xi32, #tpu.memory_space<hbm>> -> memref<12800xi32, #tpu.memory_space<hbm>>
      %dma_wait3A_169 = tpu.memref_slice %arg2[%mul3A_67] : memref<819200xi32, #tpu.memory_space<hbm>> -> memref<12800xi32, #tpu.memory_space<hbm>>
      tpu.wait_dma2 semaphore(%run_scoped3A : memref<!tpu.dma_semaphore, #tpu.memory_space<semaphore_mem>>) src(%dma_wait3A_169 : memref<12800xi32, #tpu.memory_space<hbm>>) dst(%arg6 : memref<12800xi32, #tpu.memory_space<vmem>>)
      tpu.yield
    }) : () -> ()
    %mul3A_68 = arith.constant 200 : i32
    %mul3A_69 = arith.muli %add3A_65, %mul3A_68 : i32
    "tpu.region"() ({
      %run_scoped3A = tpu.sem_alloc : memref<!tpu.dma_semaphore, #tpu.memory_space<semaphore_mem>>
      %dma_start3A_166 = tpu.memref_slice %arg3[%mul3A_69] : memref<819200xi32, #tpu.memory_space<hbm>> -> memref<12800xi32, #tpu.memory_space<hbm>>
      %dma_start3A_167 = tpu.memref_slice %arg3[%mul3A_69] : memref<819200xi32, #tpu.memory_space<hbm>> -> memref<12800xi32, #tpu.memory_space<hbm>>
      tpu.enqueue_dma source(%dma_start3A_167 : memref<12800xi32, #tpu.memory_space<hbm>>) target(%arg7 : memref<12800xi32, #tpu.memory_space<vmem>>) target_semaphore(%run_scoped3A : memref<!tpu.dma_semaphore, #tpu.memory_space<semaphore_mem>>)
      %dma_wait3A_168 = tpu.memref_slice %arg3[%mul3A_69] : memref<819200xi32, #tpu.memory_space<hbm>> -> memref<12800xi32, #tpu.memory_space<hbm>>
      %dma_wait3A_169 = tpu.memref_slice %arg3[%mul3A_69] : memref<819200xi32, #tpu.memory_space<hbm>> -> memref<12800xi32, #tpu.memory_space<hbm>>
      tpu.wait_dma2 semaphore(%run_scoped3A : memref<!tpu.dma_semaphore, #tpu.memory_space<semaphore_mem>>) src(%dma_wait3A_169 : memref<12800xi32, #tpu.memory_space<hbm>>) dst(%arg7 : memref<12800xi32, #tpu.memory_space<vmem>>)
      tpu.yield
    }) : () -> ()
    %dma_start3A_70 = arith.constant 0 : i32
    %dma_start3A_71 = arith.constant 0 : i32
    %dma_start3A_72 = arith.constant 0 : i32
    %dma_start3A_73 = arith.constant 0 : i32
    %dma_start3A_74 = tpu.memref_slice %arg8[%dma_start3A_70, %dma_start3A_72, %dma_start3A_73] : memref<2x200x128xf32, #tpu.memory_space<vmem>> -> memref<1x128x128xf32, #tpu.memory_space<vmem>>
    %dma_start3A_75 = tpu.memref_squeeze %dma_start3A_74 : memref<1x128x128xf32, #tpu.memory_space<vmem>> -> memref<128x128xf32, #tpu.memory_space<vmem>>
    %dma_start3A_76 = arith.constant 0 : i32
    %dma_start3A_77 = tpu.memref_slice %arg6[%dma_start3A_76] : memref<12800xi32, #tpu.memory_space<vmem>> -> memref<128xi32, #tpu.memory_space<vmem>>
    %dma_start3A_78 = arith.constant 0 : i32
    %dma_start3A_79 = arith.constant 0 : i32
    %dma_start3A_80 = tpu.memref_slice %arg4[%dma_start3A_78, %dma_start3A_79] : memref<500000x128xf32, #tpu.memory_space<hbm>> -> memref<500000x128xf32, #tpu.memory_space<hbm>>
    %dma_start3A_81 = tpu.memref_slice %arg10[%dma_start3A_71] : memref<2x!tpu.dma_semaphore, #tpu.memory_space<semaphore_mem>> -> memref<1x!tpu.dma_semaphore, #tpu.memory_space<semaphore_mem>>
    %dma_start3A_82 = tpu.memref_squeeze %dma_start3A_81 : memref<1x!tpu.dma_semaphore, #tpu.memory_space<semaphore_mem>> -> memref<!tpu.dma_semaphore, #tpu.memory_space<semaphore_mem>>
    tpu.enqueue_indirect_dma source(%dma_start3A_80 : memref<500000x128xf32, #tpu.memory_space<hbm>>) target(%dma_start3A_75 : memref<128x128xf32, #tpu.memory_space<vmem>>) offsets(%dma_start3A_77 : memref<128xi32, #tpu.memory_space<vmem>>) semaphore(%dma_start3A_82 : memref<!tpu.dma_semaphore, #tpu.memory_space<semaphore_mem>>)
    %dma_start3A_83 = arith.constant 0 : i32
    %dma_start3A_84 = arith.constant 0 : i32
    %dma_start3A_85 = arith.constant 128 : i32
    %dma_start3A_86 = arith.constant 0 : i32
    %dma_start3A_87 = tpu.memref_slice %arg8[%dma_start3A_83, %dma_start3A_85, %dma_start3A_86] : memref<2x200x128xf32, #tpu.memory_space<vmem>> -> memref<1x72x128xf32, #tpu.memory_space<vmem>>
    %dma_start3A_88 = tpu.memref_squeeze %dma_start3A_87 : memref<1x72x128xf32, #tpu.memory_space<vmem>> -> memref<72x128xf32, #tpu.memory_space<vmem>>
    %dma_start3A_89 = arith.constant 128 : i32
    %dma_start3A_90 = tpu.memref_slice %arg6[%dma_start3A_89] : memref<12800xi32, #tpu.memory_space<vmem>> -> memref<72xi32, #tpu.memory_space<vmem>>
    %dma_start3A_91 = arith.constant 0 : i32
    %dma_start3A_92 = arith.constant 0 : i32
    %dma_start3A_93 = tpu.memref_slice %arg4[%dma_start3A_91, %dma_start3A_92] : memref<500000x128xf32, #tpu.memory_space<hbm>> -> memref<500000x128xf32, #tpu.memory_space<hbm>>
    %dma_start3A_94 = tpu.memref_slice %arg10[%dma_start3A_84] : memref<2x!tpu.dma_semaphore, #tpu.memory_space<semaphore_mem>> -> memref<1x!tpu.dma_semaphore, #tpu.memory_space<semaphore_mem>>
    %dma_start3A_95 = tpu.memref_squeeze %dma_start3A_94 : memref<1x!tpu.dma_semaphore, #tpu.memory_space<semaphore_mem>> -> memref<!tpu.dma_semaphore, #tpu.memory_space<semaphore_mem>>
    tpu.enqueue_indirect_dma source(%dma_start3A_93 : memref<500000x128xf32, #tpu.memory_space<hbm>>) target(%dma_start3A_88 : memref<72x128xf32, #tpu.memory_space<vmem>>) offsets(%dma_start3A_90 : memref<72xi32, #tpu.memory_space<vmem>>) semaphore(%dma_start3A_95 : memref<!tpu.dma_semaphore, #tpu.memory_space<semaphore_mem>>)
    %dma_start3A_96 = arith.constant 1 : i32
    %dma_start3A_97 = arith.constant 1 : i32
    %dma_start3A_98 = arith.constant 0 : i32
    %dma_start3A_99 = arith.constant 0 : i32
    %dma_start3A_100 = tpu.memref_slice %arg8[%dma_start3A_96, %dma_start3A_98, %dma_start3A_99] : memref<2x200x128xf32, #tpu.memory_space<vmem>> -> memref<1x128x128xf32, #tpu.memory_space<vmem>>
    %dma_start3A_101 = tpu.memref_squeeze %dma_start3A_100 : memref<1x128x128xf32, #tpu.memory_space<vmem>> -> memref<128x128xf32, #tpu.memory_space<vmem>>
    %dma_start3A_102 = arith.constant 200 : i32
    %dma_start3A_103 = tpu.memref_slice %arg6[%dma_start3A_102] : memref<12800xi32, #tpu.memory_space<vmem>> -> memref<128xi32, #tpu.memory_space<vmem>>
    %dma_start3A_104 = arith.constant 0 : i32
    %dma_start3A_105 = arith.constant 0 : i32
    %dma_start3A_106 = tpu.memref_slice %arg4[%dma_start3A_104, %dma_start3A_105] : memref<500000x128xf32, #tpu.memory_space<hbm>> -> memref<500000x128xf32, #tpu.memory_space<hbm>>
    %dma_start3A_107 = tpu.memref_slice %arg10[%dma_start3A_97] : memref<2x!tpu.dma_semaphore, #tpu.memory_space<semaphore_mem>> -> memref<1x!tpu.dma_semaphore, #tpu.memory_space<semaphore_mem>>
    %dma_start3A_108 = tpu.memref_squeeze %dma_start3A_107 : memref<1x!tpu.dma_semaphore, #tpu.memory_space<semaphore_mem>> -> memref<!tpu.dma_semaphore, #tpu.memory_space<semaphore_mem>>
    tpu.enqueue_indirect_dma source(%dma_start3A_106 : memref<500000x128xf32, #tpu.memory_space<hbm>>) target(%dma_start3A_101 : memref<128x128xf32, #tpu.memory_space<vmem>>) offsets(%dma_start3A_103 : memref<128xi32, #tpu.memory_space<vmem>>) semaphore(%dma_start3A_108 : memref<!tpu.dma_semaphore, #tpu.memory_space<semaphore_mem>>)
    %dma_start3A_109 = arith.constant 1 : i32
    %dma_start3A_110 = arith.constant 1 : i32
    %dma_start3A_111 = arith.constant 128 : i32
    %dma_start3A_112 = arith.constant 0 : i32
    %dma_start3A_113 = tpu.memref_slice %arg8[%dma_start3A_109, %dma_start3A_111, %dma_start3A_112] : memref<2x200x128xf32, #tpu.memory_space<vmem>> -> memref<1x72x128xf32, #tpu.memory_space<vmem>>
    %dma_start3A_114 = tpu.memref_squeeze %dma_start3A_113 : memref<1x72x128xf32, #tpu.memory_space<vmem>> -> memref<72x128xf32, #tpu.memory_space<vmem>>
    %dma_start3A_115 = arith.constant 328 : i32
    %dma_start3A_116 = tpu.memref_slice %arg6[%dma_start3A_115] : memref<12800xi32, #tpu.memory_space<vmem>> -> memref<72xi32, #tpu.memory_space<vmem>>
    %dma_start3A_117 = arith.constant 0 : i32
    %dma_start3A_118 = arith.constant 0 : i32
    %dma_start3A_119 = tpu.memref_slice %arg4[%dma_start3A_117, %dma_start3A_118] : memref<500000x128xf32, #tpu.memory_space<hbm>> -> memref<500000x128xf32, #tpu.memory_space<hbm>>
    %dma_start3A_120 = tpu.memref_slice %arg10[%dma_start3A_110] : memref<2x!tpu.dma_semaphore, #tpu.memory_space<semaphore_mem>> -> memref<1x!tpu.dma_semaphore, #tpu.memory_space<semaphore_mem>>
    %dma_start3A_121 = tpu.memref_squeeze %dma_start3A_120 : memref<1x!tpu.dma_semaphore, #tpu.memory_space<semaphore_mem>> -> memref<!tpu.dma_semaphore, #tpu.memory_space<semaphore_mem>>
    tpu.enqueue_indirect_dma source(%dma_start3A_119 : memref<500000x128xf32, #tpu.memory_space<hbm>>) target(%dma_start3A_114 : memref<72x128xf32, #tpu.memory_space<vmem>>) offsets(%dma_start3A_116 : memref<72xi32, #tpu.memory_space<vmem>>) semaphore(%dma_start3A_121 : memref<!tpu.dma_semaphore, #tpu.memory_space<semaphore_mem>>)
    %scan3A_122 = arith.constant 0 : i32
    %scan3A_123 = arith.constant 32 : i32
    %scan3A_124 = arith.addi %scan3A_122, %scan3A_123 : i32
    %scan3A_125 = arith.constant 1 : i32
    scf.for %scan3A_166 = %scan3A_122 to %scan3A_124 step %scan3A_125  : i32 {
      %mul3A_167 = arith.constant 1 : i32
      %mul3A_168 = arith.muli %scan3A_166, %mul3A_167 : i32
      %add3A_169 = arith.constant 0 : i32
      %add3A_170 = arith.addi %add3A_169, %mul3A_168 : i32
      %mul3A_171 = arith.constant 2 : i32
      %mul3A_172 = arith.muli %add3A_170, %mul3A_171 : i32
      %add3A_173 = arith.constant 0 : i32
      %add3A_174 = arith.addi %mul3A_172, %add3A_173 : i32
      %mul3A_175 = arith.constant 200 : i32
      %mul3A_176 = arith.muli %add3A_174, %mul3A_175 : i32
      %dma_wait3A_177 = arith.constant 0 : i32
      %dma_wait3A_178 = arith.constant 0 : i32
      %dma_wait3A_179 = arith.constant 0 : i32
      %dma_wait3A_180 = arith.constant 0 : i32
      %dma_wait3A_181 = tpu.memref_slice %arg8[%dma_wait3A_177, %dma_wait3A_179, %dma_wait3A_180] : memref<2x200x128xf32, #tpu.memory_space<vmem>> -> memref<1x128x128xf32, #tpu.memory_space<vmem>>
      %dma_wait3A_182 = tpu.memref_squeeze %dma_wait3A_181 : memref<1x128x128xf32, #tpu.memory_space<vmem>> -> memref<128x128xf32, #tpu.memory_space<vmem>>
      %dma_wait3A_183 = tpu.memref_slice %arg6[%mul3A_176] : memref<12800xi32, #tpu.memory_space<vmem>> -> memref<128xi32, #tpu.memory_space<vmem>>
      %dma_wait3A_184 = arith.constant 0 : i32
      %dma_wait3A_185 = arith.constant 0 : i32
      %dma_wait3A_186 = tpu.memref_slice %arg4[%dma_wait3A_184, %dma_wait3A_185] : memref<500000x128xf32, #tpu.memory_space<hbm>> -> memref<500000x128xf32, #tpu.memory_space<hbm>>
      %dma_wait3A_187 = tpu.memref_slice %arg10[%dma_wait3A_178] : memref<2x!tpu.dma_semaphore, #tpu.memory_space<semaphore_mem>> -> memref<1x!tpu.dma_semaphore, #tpu.memory_space<semaphore_mem>>
      %dma_wait3A_188 = tpu.memref_squeeze %dma_wait3A_187 : memref<1x!tpu.dma_semaphore, #tpu.memory_space<semaphore_mem>> -> memref<!tpu.dma_semaphore, #tpu.memory_space<semaphore_mem>>
      tpu.wait_indirect_dma semaphore(%dma_wait3A_188 : memref<!tpu.dma_semaphore, #tpu.memory_space<semaphore_mem>>) src(%dma_wait3A_186 : memref<500000x128xf32, #tpu.memory_space<hbm>>) dst(%dma_wait3A_182 : memref<128x128xf32, #tpu.memory_space<vmem>>)
      %mul3A_189 = arith.constant 200 : i32
      %mul3A_190 = arith.muli %add3A_174, %mul3A_189 : i32
      %add3A_191 = arith.constant 128 : i32
      %add3A_192 = arith.addi %mul3A_190, %add3A_191 : i32
      %dma_wait3A_193 = arith.constant 0 : i32
      %dma_wait3A_194 = arith.constant 0 : i32
      %dma_wait3A_195 = arith.constant 128 : i32
      %dma_wait3A_196 = arith.constant 0 : i32
      %dma_wait3A_197 = tpu.memref_slice %arg8[%dma_wait3A_193, %dma_wait3A_195, %dma_wait3A_196] : memref<2x200x128xf32, #tpu.memory_space<vmem>> -> memref<1x72x128xf32, #tpu.memory_space<vmem>>
      %dma_wait3A_198 = tpu.memref_squeeze %dma_wait3A_197 : memref<1x72x128xf32, #tpu.memory_space<vmem>> -> memref<72x128xf32, #tpu.memory_space<vmem>>
      %dma_wait3A_199 = tpu.memref_slice %arg6[%add3A_192] : memref<12800xi32, #tpu.memory_space<vmem>> -> memref<72xi32, #tpu.memory_space<vmem>>
      %dma_wait3A_200 = arith.constant 0 : i32
      %dma_wait3A_201 = arith.constant 0 : i32
      %dma_wait3A_202 = tpu.memref_slice %arg4[%dma_wait3A_200, %dma_wait3A_201] : memref<500000x128xf32, #tpu.memory_space<hbm>> -> memref<500000x128xf32, #tpu.memory_space<hbm>>
      %dma_wait3A_203 = tpu.memref_slice %arg10[%dma_wait3A_194] : memref<2x!tpu.dma_semaphore, #tpu.memory_space<semaphore_mem>> -> memref<1x!tpu.dma_semaphore, #tpu.memory_space<semaphore_mem>>
      %dma_wait3A_204 = tpu.memref_squeeze %dma_wait3A_203 : memref<1x!tpu.dma_semaphore, #tpu.memory_space<semaphore_mem>> -> memref<!tpu.dma_semaphore, #tpu.memory_space<semaphore_mem>>
      tpu.wait_indirect_dma semaphore(%dma_wait3A_204 : memref<!tpu.dma_semaphore, #tpu.memory_space<semaphore_mem>>) src(%dma_wait3A_202 : memref<500000x128xf32, #tpu.memory_space<hbm>>) dst(%dma_wait3A_198 : memref<72x128xf32, #tpu.memory_space<vmem>>)
      %gt3A = arith.constant 0 : i32
      %gt3A_205 = arith.cmpi sgt, %add3A_170, %gt3A : i32
      %or3A = arith.constant true
      %or3A_206 = arith.ori %gt3A_205, %or3A : i1
      %convert_element_type3A = arith.extui %or3A_206 : i1 to i32
      %cond3A = arith.constant 0 : i32
      %cond3A_207 = arith.cmpi ne, %convert_element_type3A, %cond3A : i32
      scf.if %cond3A_207 {
        %dma_wait3A_310 = arith.constant 0 : i32
        %dma_wait3A_311 = arith.constant 0 : i32
        %dma_wait3A_312 = arith.constant 0 : i32
        %dma_wait3A_313 = arith.constant 0 : i32
        %dma_wait3A_314 = tpu.memref_slice %arg9[%dma_wait3A_310, %dma_wait3A_312, %dma_wait3A_313] : memref<2x200x64xf32, #tpu.memory_space<vmem>> -> memref<1x200x64xf32, #tpu.memory_space<vmem>>
        %dma_wait3A_315 = tpu.memref_squeeze %dma_wait3A_314 : memref<1x200x64xf32, #tpu.memory_space<vmem>> -> memref<200x64xf32, #tpu.memory_space<vmem>>
        %dma_wait3A_316 = arith.constant 0 : i32
        %dma_wait3A_317 = arith.constant 0 : i32
        %dma_wait3A_318 = tpu.memref_slice %arg5[%mul3A_2, %dma_wait3A_316, %dma_wait3A_317] : memref<4096x200x64xf32, #tpu.memory_space<hbm>> -> memref<1x200x64xf32, #tpu.memory_space<hbm>>
        %dma_wait3A_319 = tpu.memref_squeeze %dma_wait3A_318 : memref<1x200x64xf32, #tpu.memory_space<hbm>> -> memref<200x64xf32, #tpu.memory_space<hbm>>
        %dma_wait3A_320 = tpu.memref_slice %arg11[%dma_wait3A_311] : memref<2x!tpu.dma_semaphore, #tpu.memory_space<semaphore_mem>> -> memref<1x!tpu.dma_semaphore, #tpu.memory_space<semaphore_mem>>
        %dma_wait3A_321 = tpu.memref_squeeze %dma_wait3A_320 : memref<1x!tpu.dma_semaphore, #tpu.memory_space<semaphore_mem>> -> memref<!tpu.dma_semaphore, #tpu.memory_space<semaphore_mem>>
        %dma_wait3A_322 = arith.constant 0 : i32
        %dma_wait3A_323 = arith.constant 0 : i32
        %dma_wait3A_324 = tpu.memref_slice %arg5[%mul3A_2, %dma_wait3A_322, %dma_wait3A_323] : memref<4096x200x64xf32, #tpu.memory_space<hbm>> -> memref<1x200x64xf32, #tpu.memory_space<hbm>>
        %dma_wait3A_325 = tpu.memref_squeeze %dma_wait3A_324 : memref<1x200x64xf32, #tpu.memory_space<hbm>> -> memref<200x64xf32, #tpu.memory_space<hbm>>
        %dma_wait3A_326 = arith.constant 0 : i32
        %dma_wait3A_327 = arith.constant 0 : i32
        %dma_wait3A_328 = tpu.memref_slice %arg9[%dma_wait3A_310, %dma_wait3A_326, %dma_wait3A_327] : memref<2x200x64xf32, #tpu.memory_space<vmem>> -> memref<1x200x64xf32, #tpu.memory_space<vmem>>
        %dma_wait3A_329 = tpu.memref_squeeze %dma_wait3A_328 : memref<1x200x64xf32, #tpu.memory_space<vmem>> -> memref<200x64xf32, #tpu.memory_space<vmem>>
        tpu.wait_dma2 semaphore(%dma_wait3A_321 : memref<!tpu.dma_semaphore, #tpu.memory_space<semaphore_mem>>) src(%dma_wait3A_329 : memref<200x64xf32, #tpu.memory_space<vmem>>) dst(%dma_wait3A_325 : memref<200x64xf32, #tpu.memory_space<hbm>>)
      } else {
      }
      %scan3A_208 = arith.constant 0 : i32
      %scan3A_209 = arith.constant 200 : i32
      %scan3A_210 = arith.addi %scan3A_208, %scan3A_209 : i32
      %scan3A_211 = arith.constant 1 : i32
      scf.for %scan3A_310 = %scan3A_208 to %scan3A_210 step %scan3A_211  : i32 {
        %mul3A_311 = arith.constant 1 : i32
        %mul3A_312 = arith.muli %scan3A_310, %mul3A_311 : i32
        %add3A_313 = arith.constant 0 : i32
        %add3A_314 = arith.addi %add3A_313, %mul3A_312 : i32
        %mul3A_315 = arith.constant 200 : i32
        %mul3A_316 = arith.muli %add3A_174, %mul3A_315 : i32
        %add3A_317 = arith.addi %mul3A_316, %add3A_314 : i32
        %get3A = arith.index_cast %add3A_317 : i32 to index
        %get3A_318 = tpu.vector_load %arg7[%get3A] {strides = array<i32>} : memref<12800xi32, #tpu.memory_space<vmem>>, vector<1xi32>,
        %get3A_319 = vector.shape_cast %get3A_318 : vector<1xi32> to vector<1xi32>
        %squeeze3A = vector.extract %get3A_319[0] : i32 from vector<1xi32>
        %and3A = arith.constant 1 : i32
        %and3A_320 = arith.andi %squeeze3A, %and3A : i32
        %mul3A_321 = arith.constant 64 : i32
        %mul3A_322 = arith.muli %and3A_320, %mul3A_321 : i32
        %add3A_323 = arith.constant 0 : i32
        %add3A_324 = arith.addi %mul3A_322, %add3A_323 : i32
        %get3A_325 = arith.constant 0 : i32
        %get3A_326 = arith.index_cast %get3A_325 : i32 to index
        %get3A_327 = arith.index_cast %add3A_314 : i32 to index
        %get3A_328 = arith.index_cast %add3A_324 : i32 to index
        %get3A_329 = tpu.vector_load %arg8[%get3A_326, %get3A_327, %get3A_328] {strides = array<i32>} : memref<2x200x128xf32, #tpu.memory_space<vmem>>, vector<1x1x16xf32>,
        %get3A_330 = vector.shape_cast %get3A_329 : vector<1x1x16xf32> to vector<16xf32>
        %mul3A_331 = arith.constant 8.000000e+00 : f32
        %mul3A_332 = vector.broadcast %mul3A_331 : f32 to vector<16xf32>
        %mul3A_333 = arith.mulf %get3A_330, %mul3A_332 : vector<16xf32>
        %swap3A = arith.constant 0 : i32
        %swap3A_334 = arith.index_cast %swap3A : i32 to index
        %swap3A_335 = arith.index_cast %add3A_314 : i32 to index
        %swap3A_336 = arith.constant 0 : index
        %swap3A_337 = tpu.vector_load %arg9[%swap3A_334, %swap3A_335, %swap3A_336] {strides = array<i32>} : memref<2x200x64xf32, #tpu.memory_space<vmem>>, vector<1x1x16xf32>,
        %swap3A_338 = vector.shape_cast %swap3A_337 : vector<1x1x16xf32> to vector<16xf32>
        %swap3A_339 = vector.shape_cast %mul3A_333 : vector<16xf32> to vector<1x1x16xf32>
        tpu.vector_store %arg9[%swap3A_334, %swap3A_335, %swap3A_336], %swap3A_339 {strides = array<i32>} : memref<2x200x64xf32, #tpu.memory_space<vmem>>, vector<1x1x16xf32>,
        %add3A_340 = arith.constant 16 : i32
        %add3A_341 = arith.addi %mul3A_322, %add3A_340 : i32
        %get3A_342 = arith.constant 0 : i32
        %get3A_343 = arith.index_cast %get3A_342 : i32 to index
        %get3A_344 = arith.index_cast %add3A_314 : i32 to index
        %get3A_345 = arith.index_cast %add3A_341 : i32 to index
        %get3A_346 = tpu.vector_load %arg8[%get3A_343, %get3A_344, %get3A_345] {strides = array<i32>} : memref<2x200x128xf32, #tpu.memory_space<vmem>>, vector<1x1x16xf32>,
        %get3A_347 = vector.shape_cast %get3A_346 : vector<1x1x16xf32> to vector<16xf32>
        %mul3A_348 = arith.constant 8.000000e+00 : f32
        %mul3A_349 = vector.broadcast %mul3A_348 : f32 to vector<16xf32>
        %mul3A_350 = arith.mulf %get3A_347, %mul3A_349 : vector<16xf32>
        %swap3A_351 = arith.constant 0 : i32
        %swap3A_352 = arith.index_cast %swap3A_351 : i32 to index
        %swap3A_353 = arith.index_cast %add3A_314 : i32 to index
        %swap3A_354 = arith.constant 16 : index
        %swap3A_355 = tpu.vector_load %arg9[%swap3A_352, %swap3A_353, %swap3A_354] {strides = array<i32>} : memref<2x200x64xf32, #tpu.memory_space<vmem>>, vector<1x1x16xf32>,
        %swap3A_356 = vector.shape_cast %swap3A_355 : vector<1x1x16xf32> to vector<16xf32>
        %swap3A_357 = vector.shape_cast %mul3A_350 : vector<16xf32> to vector<1x1x16xf32>
        tpu.vector_store %arg9[%swap3A_352, %swap3A_353, %swap3A_354], %swap3A_357 {strides = array<i32>} : memref<2x200x64xf32, #tpu.memory_space<vmem>>, vector<1x1x16xf32>,
        %add3A_358 = arith.constant 32 : i32
        %add3A_359 = arith.addi %mul3A_322, %add3A_358 : i32
        %get3A_360 = arith.constant 0 : i32
        %get3A_361 = arith.index_cast %get3A_360 : i32 to index
        %get3A_362 = arith.index_cast %add3A_314 : i32 to index
        %get3A_363 = arith.index_cast %add3A_359 : i32 to index
        %get3A_364 = tpu.vector_load %arg8[%get3A_361, %get3A_362, %get3A_363] {strides = array<i32>} : memref<2x200x128xf32, #tpu.memory_space<vmem>>, vector<1x1x16xf32>,
        %get3A_365 = vector.shape_cast %get3A_364 : vector<1x1x16xf32> to vector<16xf32>
        %mul3A_366 = arith.constant 8.000000e+00 : f32
        %mul3A_367 = vector.broadcast %mul3A_366 : f32 to vector<16xf32>
        %mul3A_368 = arith.mulf %get3A_365, %mul3A_367 : vector<16xf32>
        %swap3A_369 = arith.constant 0 : i32
        %swap3A_370 = arith.index_cast %swap3A_369 : i32 to index
        %swap3A_371 = arith.index_cast %add3A_314 : i32 to index
        %swap3A_372 = arith.constant 32 : index
        %swap3A_373 = tpu.vector_load %arg9[%swap3A_370, %swap3A_371, %swap3A_372] {strides = array<i32>} : memref<2x200x64xf32, #tpu.memory_space<vmem>>, vector<1x1x16xf32>,
        %swap3A_374 = vector.shape_cast %swap3A_373 : vector<1x1x16xf32> to vector<16xf32>
        %swap3A_375 = vector.shape_cast %mul3A_368 : vector<16xf32> to vector<1x1x16xf32>
        tpu.vector_store %arg9[%swap3A_370, %swap3A_371, %swap3A_372], %swap3A_375 {strides = array<i32>} : memref<2x200x64xf32, #tpu.memory_space<vmem>>, vector<1x1x16xf32>,
        %add3A_376 = arith.constant 48 : i32
        %add3A_377 = arith.addi %mul3A_322, %add3A_376 : i32
        %get3A_378 = arith.constant 0 : i32
        %get3A_379 = arith.index_cast %get3A_378 : i32 to index
        %get3A_380 = arith.index_cast %add3A_314 : i32 to index
        %get3A_381 = arith.index_cast %add3A_377 : i32 to index
        %get3A_382 = tpu.vector_load %arg8[%get3A_379, %get3A_380, %get3A_381] {strides = array<i32>} : memref<2x200x128xf32, #tpu.memory_space<vmem>>, vector<1x1x16xf32>,
        %get3A_383 = vector.shape_cast %get3A_382 : vector<1x1x16xf32> to vector<16xf32>
        %mul3A_384 = arith.constant 8.000000e+00 : f32
        %mul3A_385 = vector.broadcast %mul3A_384 : f32 to vector<16xf32>
        %mul3A_386 = arith.mulf %get3A_383, %mul3A_385 : vector<16xf32>
        %swap3A_387 = arith.constant 0 : i32
        %swap3A_388 = arith.index_cast %swap3A_387 : i32 to index
        %swap3A_389 = arith.index_cast %add3A_314 : i32 to index
        %swap3A_390 = arith.constant 48 : index
        %swap3A_391 = tpu.vector_load %arg9[%swap3A_388, %swap3A_389, %swap3A_390] {strides = array<i32>} : memref<2x200x64xf32, #tpu.memory_space<vmem>>, vector<1x1x16xf32>,
        %swap3A_392 = vector.shape_cast %swap3A_391 : vector<1x1x16xf32> to vector<16xf32>
        %swap3A_393 = vector.shape_cast %mul3A_386 : vector<16xf32> to vector<1x1x16xf32>
        tpu.vector_store %arg9[%swap3A_388, %swap3A_389, %swap3A_390], %swap3A_393 {strides = array<i32>} : memref<2x200x64xf32, #tpu.memory_space<vmem>>, vector<1x1x16xf32>,
      }
      %scan3A_212 = arith.constant 200 : i32
      %add3A_213 = arith.addi %add3A_65, %add3A_174 : i32
      %dma_start3A_214 = arith.constant 0 : i32
      %dma_start3A_215 = arith.constant 0 : i32
      %dma_start3A_216 = arith.constant 0 : i32
      %dma_start3A_217 = arith.constant 0 : i32
      %dma_start3A_218 = tpu.memref_slice %arg9[%dma_start3A_214, %dma_start3A_216, %dma_start3A_217] : memref<2x200x64xf32, #tpu.memory_space<vmem>> -> memref<1x200x64xf32, #tpu.memory_space<vmem>>
      %dma_start3A_219 = tpu.memref_squeeze %dma_start3A_218 : memref<1x200x64xf32, #tpu.memory_space<vmem>> -> memref<200x64xf32, #tpu.memory_space<vmem>>
      %dma_start3A_220 = arith.constant 0 : i32
      %dma_start3A_221 = arith.constant 0 : i32
      %dma_start3A_222 = tpu.memref_slice %arg5[%add3A_213, %dma_start3A_220, %dma_start3A_221] : memref<4096x200x64xf32, #tpu.memory_space<hbm>> -> memref<1x200x64xf32, #tpu.memory_space<hbm>>
      %dma_start3A_223 = tpu.memref_squeeze %dma_start3A_222 : memref<1x200x64xf32, #tpu.memory_space<hbm>> -> memref<200x64xf32, #tpu.memory_space<hbm>>
      %dma_start3A_224 = tpu.memref_slice %arg11[%dma_start3A_215] : memref<2x!tpu.dma_semaphore, #tpu.memory_space<semaphore_mem>> -> memref<1x!tpu.dma_semaphore, #tpu.memory_space<semaphore_mem>>
      %dma_start3A_225 = tpu.memref_squeeze %dma_start3A_224 : memref<1x!tpu.dma_semaphore, #tpu.memory_space<semaphore_mem>> -> memref<!tpu.dma_semaphore, #tpu.memory_space<semaphore_mem>>
      %dma_start3A_226 = arith.constant 0 : i32
      %dma_start3A_227 = arith.constant 0 : i32
      %dma_start3A_228 = tpu.memref_slice %arg5[%add3A_213, %dma_start3A_226, %dma_start3A_227] : memref<4096x200x64xf32, #tpu.memory_space<hbm>> -> memref<1x200x64xf32, #tpu.memory_space<hbm>>
      %dma_start3A_229 = tpu.memref_squeeze %dma_start3A_228 : memref<1x200x64xf32, #tpu.memory_space<hbm>> -> memref<200x64xf32, #tpu.memory_space<hbm>>
      %dma_start3A_230 = arith.constant 0 : i32
      %dma_start3A_231 = arith.constant 0 : i32
      %dma_start3A_232 = tpu.memref_slice %arg9[%dma_start3A_214, %dma_start3A_230, %dma_start3A_231] : memref<2x200x64xf32, #tpu.memory_space<vmem>> -> memref<1x200x64xf32, #tpu.memory_space<vmem>>
      %dma_start3A_233 = tpu.memref_squeeze %dma_start3A_232 : memref<1x200x64xf32, #tpu.memory_space<vmem>> -> memref<200x64xf32, #tpu.memory_space<vmem>>
      tpu.enqueue_dma source(%dma_start3A_233 : memref<200x64xf32, #tpu.memory_space<vmem>>) target(%dma_start3A_229 : memref<200x64xf32, #tpu.memory_space<hbm>>) target_semaphore(%dma_start3A_225 : memref<!tpu.dma_semaphore, #tpu.memory_space<semaphore_mem>>)
      %lt3A = arith.constant 31 : i32
      %lt3A_234 = arith.cmpi slt, %add3A_170, %lt3A : i32
      %convert_element_type3A_235 = arith.extui %lt3A_234 : i1 to i32
      %cond3A_236 = arith.constant 0 : i32
      %cond3A_237 = arith.cmpi ne, %convert_element_type3A_235, %cond3A_236 : i32
      scf.if %cond3A_237 {
        %add3A_310 = arith.constant 2 : i32
        %add3A_311 = arith.addi %add3A_174, %add3A_310 : i32
        %mul3A_312 = arith.constant 200 : i32
        %mul3A_313 = arith.muli %add3A_311, %mul3A_312 : i32
        %dma_start3A_314 = arith.constant 0 : i32
        %dma_start3A_315 = arith.constant 0 : i32
        %dma_start3A_316 = arith.constant 0 : i32
        %dma_start3A_317 = arith.constant 0 : i32
        %dma_start3A_318 = tpu.memref_slice %arg8[%dma_start3A_314, %dma_start3A_316, %dma_start3A_317] : memref<2x200x128xf32, #tpu.memory_space<vmem>> -> memref<1x128x128xf32, #tpu.memory_space<vmem>>
        %dma_start3A_319 = tpu.memref_squeeze %dma_start3A_318 : memref<1x128x128xf32, #tpu.memory_space<vmem>> -> memref<128x128xf32, #tpu.memory_space<vmem>>
        %dma_start3A_320 = tpu.memref_slice %arg6[%mul3A_313] : memref<12800xi32, #tpu.memory_space<vmem>> -> memref<128xi32, #tpu.memory_space<vmem>>
        %dma_start3A_321 = arith.constant 0 : i32
        %dma_start3A_322 = arith.constant 0 : i32
        %dma_start3A_323 = tpu.memref_slice %arg4[%dma_start3A_321, %dma_start3A_322] : memref<500000x128xf32, #tpu.memory_space<hbm>> -> memref<500000x128xf32, #tpu.memory_space<hbm>>
        %dma_start3A_324 = tpu.memref_slice %arg10[%dma_start3A_315] : memref<2x!tpu.dma_semaphore, #tpu.memory_space<semaphore_mem>> -> memref<1x!tpu.dma_semaphore, #tpu.memory_space<semaphore_mem>>
        %dma_start3A_325 = tpu.memref_squeeze %dma_start3A_324 : memref<1x!tpu.dma_semaphore, #tpu.memory_space<semaphore_mem>> -> memref<!tpu.dma_semaphore, #tpu.memory_space<semaphore_mem>>
        tpu.enqueue_indirect_dma source(%dma_start3A_323 : memref<500000x128xf32, #tpu.memory_space<hbm>>) target(%dma_start3A_319 : memref<128x128xf32, #tpu.memory_space<vmem>>) offsets(%dma_start3A_320 : memref<128xi32, #tpu.memory_space<vmem>>) semaphore(%dma_start3A_325 : memref<!tpu.dma_semaphore, #tpu.memory_space<semaphore_mem>>)
        %mul3A_326 = arith.constant 200 : i32
        %mul3A_327 = arith.muli %add3A_311, %mul3A_326 : i32
        %add3A_328 = arith.constant 128 : i32
        %add3A_329 = arith.addi %mul3A_327, %add3A_328 : i32
        %dma_start3A_330 = arith.constant 0 : i32
        %dma_start3A_331 = arith.constant 0 : i32
        %dma_start3A_332 = arith.constant 128 : i32
        %dma_start3A_333 = arith.constant 0 : i32
        %dma_start3A_334 = tpu.memref_slice %arg8[%dma_start3A_330, %dma_start3A_332, %dma_start3A_333] : memref<2x200x128xf32, #tpu.memory_space<vmem>> -> memref<1x72x128xf32, #tpu.memory_space<vmem>>
        %dma_start3A_335 = tpu.memref_squeeze %dma_start3A_334 : memref<1x72x128xf32, #tpu.memory_space<vmem>> -> memref<72x128xf32, #tpu.memory_space<vmem>>
        %dma_start3A_336 = tpu.memref_slice %arg6[%add3A_329] : memref<12800xi32, #tpu.memory_space<vmem>> -> memref<72xi32, #tpu.memory_space<vmem>>
        %dma_start3A_337 = arith.constant 0 : i32
        %dma_start3A_338 = arith.constant 0 : i32
        %dma_start3A_339 = tpu.memref_slice %arg4[%dma_start3A_337, %dma_start3A_338] : memref<500000x128xf32, #tpu.memory_space<hbm>> -> memref<500000x128xf32, #tpu.memory_space<hbm>>
        %dma_start3A_340 = tpu.memref_slice %arg10[%dma_start3A_331] : memref<2x!tpu.dma_semaphore, #tpu.memory_space<semaphore_mem>> -> memref<1x!tpu.dma_semaphore, #tpu.memory_space<semaphore_mem>>
        %dma_start3A_341 = tpu.memref_squeeze %dma_start3A_340 : memref<1x!tpu.dma_semaphore, #tpu.memory_space<semaphore_mem>> -> memref<!tpu.dma_semaphore, #tpu.memory_space<semaphore_mem>>
        tpu.enqueue_indirect_dma source(%dma_start3A_339 : memref<500000x128xf32, #tpu.memory_space<hbm>>) target(%dma_start3A_335 : memref<72x128xf32, #tpu.memory_space<vmem>>) offsets(%dma_start3A_336 : memref<72xi32, #tpu.memory_space<vmem>>) semaphore(%dma_start3A_341 : memref<!tpu.dma_semaphore, #tpu.memory_space<semaphore_mem>>)
      } else {
      }
      %mul3A_238 = arith.constant 2 : i32
      %mul3A_239 = arith.muli %add3A_170, %mul3A_238 : i32
      %add3A_240 = arith.constant 1 : i32
      %add3A_241 = arith.addi %mul3A_239, %add3A_240 : i32
      %mul3A_242 = arith.constant 200 : i32
      %mul3A_243 = arith.muli %add3A_241, %mul3A_242 : i32
      %dma_wait3A_244 = arith.constant 1 : i32
      %dma_wait3A_245 = arith.constant 1 : i32
      %dma_wait3A_246 = arith.constant 0 : i32
      %dma_wait3A_247 = arith.constant 0 : i32
      %dma_wait3A_248 = tpu.memref_slice %arg8[%dma_wait3A_244, %dma_wait3A_246, %dma_wait3A_247] : memref<2x200x128xf32, #tpu.memory_space<vmem>> -> memref<1x128x128xf32, #tpu.memory_space<vmem>>
      %dma_wait3A_249 = tpu.memref_squeeze %dma_wait3A_248 : memref<1x128x128xf32, #tpu.memory_space<vmem>> -> memref<128x128xf32, #tpu.memory_space<vmem>>
      %dma_wait3A_250 = tpu.memref_slice %arg6[%mul3A_243] : memref<12800xi32, #tpu.memory_space<vmem>> -> memref<128xi32, #tpu.memory_space<vmem>>
      %dma_wait3A_251 = arith.constant 0 : i32
      %dma_wait3A_252 = arith.constant 0 : i32
      %dma_wait3A_253 = tpu.memref_slice %arg4[%dma_wait3A_251, %dma_wait3A_252] : memref<500000x128xf32, #tpu.memory_space<hbm>> -> memref<500000x128xf32, #tpu.memory_space<hbm>>
      %dma_wait3A_254 = tpu.memref_slice %arg10[%dma_wait3A_245] : memref<2x!tpu.dma_semaphore, #tpu.memory_space<semaphore_mem>> -> memref<1x!tpu.dma_semaphore, #tpu.memory_space<semaphore_mem>>
      %dma_wait3A_255 = tpu.memref_squeeze %dma_wait3A_254 : memref<1x!tpu.dma_semaphore, #tpu.memory_space<semaphore_mem>> -> memref<!tpu.dma_semaphore, #tpu.memory_space<semaphore_mem>>
      tpu.wait_indirect_dma semaphore(%dma_wait3A_255 : memref<!tpu.dma_semaphore, #tpu.memory_space<semaphore_mem>>) src(%dma_wait3A_253 : memref<500000x128xf32, #tpu.memory_space<hbm>>) dst(%dma_wait3A_249 : memref<128x128xf32, #tpu.memory_space<vmem>>)
      %mul3A_256 = arith.constant 200 : i32
      %mul3A_257 = arith.muli %add3A_241, %mul3A_256 : i32
      %add3A_258 = arith.constant 128 : i32
      %add3A_259 = arith.addi %mul3A_257, %add3A_258 : i32
      %dma_wait3A_260 = arith.constant 1 : i32
      %dma_wait3A_261 = arith.constant 1 : i32
      %dma_wait3A_262 = arith.constant 128 : i32
      %dma_wait3A_263 = arith.constant 0 : i32
      %dma_wait3A_264 = tpu.memref_slice %arg8[%dma_wait3A_260, %dma_wait3A_262, %dma_wait3A_263] : memref<2x200x128xf32, #tpu.memory_space<vmem>> -> memref<1x72x128xf32, #tpu.memory_space<vmem>>
      %dma_wait3A_265 = tpu.memref_squeeze %dma_wait3A_264 : memref<1x72x128xf32, #tpu.memory_space<vmem>> -> memref<72x128xf32, #tpu.memory_space<vmem>>
      %dma_wait3A_266 = tpu.memref_slice %arg6[%add3A_259] : memref<12800xi32, #tpu.memory_space<vmem>> -> memref<72xi32, #tpu.memory_space<vmem>>
      %dma_wait3A_267 = arith.constant 0 : i32
      %dma_wait3A_268 = arith.constant 0 : i32
      %dma_wait3A_269 = tpu.memref_slice %arg4[%dma_wait3A_267, %dma_wait3A_268] : memref<500000x128xf32, #tpu.memory_space<hbm>> -> memref<500000x128xf32, #tpu.memory_space<hbm>>
      %dma_wait3A_270 = tpu.memref_slice %arg10[%dma_wait3A_261] : memref<2x!tpu.dma_semaphore, #tpu.memory_space<semaphore_mem>> -> memref<1x!tpu.dma_semaphore, #tpu.memory_space<semaphore_mem>>
      %dma_wait3A_271 = tpu.memref_squeeze %dma_wait3A_270 : memref<1x!tpu.dma_semaphore, #tpu.memory_space<semaphore_mem>> -> memref<!tpu.dma_semaphore, #tpu.memory_space<semaphore_mem>>
      tpu.wait_indirect_dma semaphore(%dma_wait3A_271 : memref<!tpu.dma_semaphore, #tpu.memory_space<semaphore_mem>>) src(%dma_wait3A_269 : memref<500000x128xf32, #tpu.memory_space<hbm>>) dst(%dma_wait3A_265 : memref<72x128xf32, #tpu.memory_space<vmem>>)
      %gt3A_272 = arith.constant 0 : i32
      %gt3A_273 = arith.cmpi sgt, %add3A_170, %gt3A_272 : i32
      %or3A_274 = arith.constant true
      %or3A_275 = arith.ori %gt3A_273, %or3A_274 : i1
      %convert_element_type3A_276 = arith.extui %or3A_275 : i1 to i32
      %cond3A_277 = arith.constant 0 : i32
      %cond3A_278 = arith.cmpi ne, %convert_element_type3A_276, %cond3A_277 : i32
      scf.if %cond3A_278 {
        %dma_wait3A_310 = arith.constant 1 : i32
        %dma_wait3A_311 = arith.constant 1 : i32
        %dma_wait3A_312 = arith.constant 0 : i32
        %dma_wait3A_313 = arith.constant 0 : i32
        %dma_wait3A_314 = tpu.memref_slice %arg9[%dma_wait3A_310, %dma_wait3A_312, %dma_wait3A_313] : memref<2x200x64xf32, #tpu.memory_space<vmem>> -> memref<1x200x64xf32, #tpu.memory_space<vmem>>
        %dma_wait3A_315 = tpu.memref_squeeze %dma_wait3A_314 : memref<1x200x64xf32, #tpu.memory_space<vmem>> -> memref<200x64xf32, #tpu.memory_space<vmem>>
        %dma_wait3A_316 = arith.constant 0 : i32
        %dma_wait3A_317 = arith.constant 0 : i32
        %dma_wait3A_318 = tpu.memref_slice %arg5[%mul3A_2, %dma_wait3A_316, %dma_wait3A_317] : memref<4096x200x64xf32, #tpu.memory_space<hbm>> -> memref<1x200x64xf32, #tpu.memory_space<hbm>>
        %dma_wait3A_319 = tpu.memref_squeeze %dma_wait3A_318 : memref<1x200x64xf32, #tpu.memory_space<hbm>> -> memref<200x64xf32, #tpu.memory_space<hbm>>
        %dma_wait3A_320 = tpu.memref_slice %arg11[%dma_wait3A_311] : memref<2x!tpu.dma_semaphore, #tpu.memory_space<semaphore_mem>> -> memref<1x!tpu.dma_semaphore, #tpu.memory_space<semaphore_mem>>
        %dma_wait3A_321 = tpu.memref_squeeze %dma_wait3A_320 : memref<1x!tpu.dma_semaphore, #tpu.memory_space<semaphore_mem>> -> memref<!tpu.dma_semaphore, #tpu.memory_space<semaphore_mem>>
        %dma_wait3A_322 = arith.constant 0 : i32
        %dma_wait3A_323 = arith.constant 0 : i32
        %dma_wait3A_324 = tpu.memref_slice %arg5[%mul3A_2, %dma_wait3A_322, %dma_wait3A_323] : memref<4096x200x64xf32, #tpu.memory_space<hbm>> -> memref<1x200x64xf32, #tpu.memory_space<hbm>>
        %dma_wait3A_325 = tpu.memref_squeeze %dma_wait3A_324 : memref<1x200x64xf32, #tpu.memory_space<hbm>> -> memref<200x64xf32, #tpu.memory_space<hbm>>
        %dma_wait3A_326 = arith.constant 0 : i32
        %dma_wait3A_327 = arith.constant 0 : i32
        %dma_wait3A_328 = tpu.memref_slice %arg9[%dma_wait3A_310, %dma_wait3A_326, %dma_wait3A_327] : memref<2x200x64xf32, #tpu.memory_space<vmem>> -> memref<1x200x64xf32, #tpu.memory_space<vmem>>
        %dma_wait3A_329 = tpu.memref_squeeze %dma_wait3A_328 : memref<1x200x64xf32, #tpu.memory_space<vmem>> -> memref<200x64xf32, #tpu.memory_space<vmem>>
        tpu.wait_dma2 semaphore(%dma_wait3A_321 : memref<!tpu.dma_semaphore, #tpu.memory_space<semaphore_mem>>) src(%dma_wait3A_329 : memref<200x64xf32, #tpu.memory_space<vmem>>) dst(%dma_wait3A_325 : memref<200x64xf32, #tpu.memory_space<hbm>>)
      } else {
      }
      %scan3A_279 = arith.constant 0 : i32
      %scan3A_280 = arith.constant 200 : i32
      %scan3A_281 = arith.addi %scan3A_279, %scan3A_280 : i32
      %scan3A_282 = arith.constant 1 : i32
      scf.for %scan3A_310 = %scan3A_279 to %scan3A_281 step %scan3A_282  : i32 {
        %mul3A_311 = arith.constant 1 : i32
        %mul3A_312 = arith.muli %scan3A_310, %mul3A_311 : i32
        %add3A_313 = arith.constant 0 : i32
        %add3A_314 = arith.addi %add3A_313, %mul3A_312 : i32
        %mul3A_315 = arith.constant 200 : i32
        %mul3A_316 = arith.muli %add3A_241, %mul3A_315 : i32
        %add3A_317 = arith.addi %mul3A_316, %add3A_314 : i32
        %get3A = arith.index_cast %add3A_317 : i32 to index
        %get3A_318 = tpu.vector_load %arg7[%get3A] {strides = array<i32>} : memref<12800xi32, #tpu.memory_space<vmem>>, vector<1xi32>,
        %get3A_319 = vector.shape_cast %get3A_318 : vector<1xi32> to vector<1xi32>
        %squeeze3A = vector.extract %get3A_319[0] : i32 from vector<1xi32>
        %and3A = arith.constant 1 : i32
        %and3A_320 = arith.andi %squeeze3A, %and3A : i32
        %mul3A_321 = arith.constant 64 : i32
        %mul3A_322 = arith.muli %and3A_320, %mul3A_321 : i32
        %add3A_323 = arith.constant 0 : i32
        %add3A_324 = arith.addi %mul3A_322, %add3A_323 : i32
        %get3A_325 = arith.constant 1 : i32
        %get3A_326 = arith.index_cast %get3A_325 : i32 to index
        %get3A_327 = arith.index_cast %add3A_314 : i32 to index
        %get3A_328 = arith.index_cast %add3A_324 : i32 to index
        %get3A_329 = tpu.vector_load %arg8[%get3A_326, %get3A_327, %get3A_328] {strides = array<i32>} : memref<2x200x128xf32, #tpu.memory_space<vmem>>, vector<1x1x16xf32>,
        %get3A_330 = vector.shape_cast %get3A_329 : vector<1x1x16xf32> to vector<16xf32>
        %mul3A_331 = arith.constant 8.000000e+00 : f32
        %mul3A_332 = vector.broadcast %mul3A_331 : f32 to vector<16xf32>
        %mul3A_333 = arith.mulf %get3A_330, %mul3A_332 : vector<16xf32>
        %swap3A = arith.constant 1 : i32
        %swap3A_334 = arith.index_cast %swap3A : i32 to index
        %swap3A_335 = arith.index_cast %add3A_314 : i32 to index
        %swap3A_336 = arith.constant 0 : index
        %swap3A_337 = tpu.vector_load %arg9[%swap3A_334, %swap3A_335, %swap3A_336] {strides = array<i32>} : memref<2x200x64xf32, #tpu.memory_space<vmem>>, vector<1x1x16xf32>,
        %swap3A_338 = vector.shape_cast %swap3A_337 : vector<1x1x16xf32> to vector<16xf32>
        %swap3A_339 = vector.shape_cast %mul3A_333 : vector<16xf32> to vector<1x1x16xf32>
        tpu.vector_store %arg9[%swap3A_334, %swap3A_335, %swap3A_336], %swap3A_339 {strides = array<i32>} : memref<2x200x64xf32, #tpu.memory_space<vmem>>, vector<1x1x16xf32>,
        %add3A_340 = arith.constant 16 : i32
        %add3A_341 = arith.addi %mul3A_322, %add3A_340 : i32
        %get3A_342 = arith.constant 1 : i32
        %get3A_343 = arith.index_cast %get3A_342 : i32 to index
        %get3A_344 = arith.index_cast %add3A_314 : i32 to index
        %get3A_345 = arith.index_cast %add3A_341 : i32 to index
        %get3A_346 = tpu.vector_load %arg8[%get3A_343, %get3A_344, %get3A_345] {strides = array<i32>} : memref<2x200x128xf32, #tpu.memory_space<vmem>>, vector<1x1x16xf32>,
        %get3A_347 = vector.shape_cast %get3A_346 : vector<1x1x16xf32> to vector<16xf32>
        %mul3A_348 = arith.constant 8.000000e+00 : f32
        %mul3A_349 = vector.broadcast %mul3A_348 : f32 to vector<16xf32>
        %mul3A_350 = arith.mulf %get3A_347, %mul3A_349 : vector<16xf32>
        %swap3A_351 = arith.constant 1 : i32
        %swap3A_352 = arith.index_cast %swap3A_351 : i32 to index
        %swap3A_353 = arith.index_cast %add3A_314 : i32 to index
        %swap3A_354 = arith.constant 16 : index
        %swap3A_355 = tpu.vector_load %arg9[%swap3A_352, %swap3A_353, %swap3A_354] {strides = array<i32>} : memref<2x200x64xf32, #tpu.memory_space<vmem>>, vector<1x1x16xf32>,
        %swap3A_356 = vector.shape_cast %swap3A_355 : vector<1x1x16xf32> to vector<16xf32>
        %swap3A_357 = vector.shape_cast %mul3A_350 : vector<16xf32> to vector<1x1x16xf32>
        tpu.vector_store %arg9[%swap3A_352, %swap3A_353, %swap3A_354], %swap3A_357 {strides = array<i32>} : memref<2x200x64xf32, #tpu.memory_space<vmem>>, vector<1x1x16xf32>,
        %add3A_358 = arith.constant 32 : i32
        %add3A_359 = arith.addi %mul3A_322, %add3A_358 : i32
        %get3A_360 = arith.constant 1 : i32
        %get3A_361 = arith.index_cast %get3A_360 : i32 to index
        %get3A_362 = arith.index_cast %add3A_314 : i32 to index
        %get3A_363 = arith.index_cast %add3A_359 : i32 to index
        %get3A_364 = tpu.vector_load %arg8[%get3A_361, %get3A_362, %get3A_363] {strides = array<i32>} : memref<2x200x128xf32, #tpu.memory_space<vmem>>, vector<1x1x16xf32>,
        %get3A_365 = vector.shape_cast %get3A_364 : vector<1x1x16xf32> to vector<16xf32>
        %mul3A_366 = arith.constant 8.000000e+00 : f32
        %mul3A_367 = vector.broadcast %mul3A_366 : f32 to vector<16xf32>
        %mul3A_368 = arith.mulf %get3A_365, %mul3A_367 : vector<16xf32>
        %swap3A_369 = arith.constant 1 : i32
        %swap3A_370 = arith.index_cast %swap3A_369 : i32 to index
        %swap3A_371 = arith.index_cast %add3A_314 : i32 to index
        %swap3A_372 = arith.constant 32 : index
        %swap3A_373 = tpu.vector_load %arg9[%swap3A_370, %swap3A_371, %swap3A_372] {strides = array<i32>} : memref<2x200x64xf32, #tpu.memory_space<vmem>>, vector<1x1x16xf32>,
        %swap3A_374 = vector.shape_cast %swap3A_373 : vector<1x1x16xf32> to vector<16xf32>
        %swap3A_375 = vector.shape_cast %mul3A_368 : vector<16xf32> to vector<1x1x16xf32>
        tpu.vector_store %arg9[%swap3A_370, %swap3A_371, %swap3A_372], %swap3A_375 {strides = array<i32>} : memref<2x200x64xf32, #tpu.memory_space<vmem>>, vector<1x1x16xf32>,
        %add3A_376 = arith.constant 48 : i32
        %add3A_377 = arith.addi %mul3A_322, %add3A_376 : i32
        %get3A_378 = arith.constant 1 : i32
        %get3A_379 = arith.index_cast %get3A_378 : i32 to index
        %get3A_380 = arith.index_cast %add3A_314 : i32 to index
        %get3A_381 = arith.index_cast %add3A_377 : i32 to index
        %get3A_382 = tpu.vector_load %arg8[%get3A_379, %get3A_380, %get3A_381] {strides = array<i32>} : memref<2x200x128xf32, #tpu.memory_space<vmem>>, vector<1x1x16xf32>,
        %get3A_383 = vector.shape_cast %get3A_382 : vector<1x1x16xf32> to vector<16xf32>
        %mul3A_384 = arith.constant 8.000000e+00 : f32
        %mul3A_385 = vector.broadcast %mul3A_384 : f32 to vector<16xf32>
        %mul3A_386 = arith.mulf %get3A_383, %mul3A_385 : vector<16xf32>
        %swap3A_387 = arith.constant 1 : i32
        %swap3A_388 = arith.index_cast %swap3A_387 : i32 to index
        %swap3A_389 = arith.index_cast %add3A_314 : i32 to index
        %swap3A_390 = arith.constant 48 : index
        %swap3A_391 = tpu.vector_load %arg9[%swap3A_388, %swap3A_389, %swap3A_390] {strides = array<i32>} : memref<2x200x64xf32, #tpu.memory_space<vmem>>, vector<1x1x16xf32>,
        %swap3A_392 = vector.shape_cast %swap3A_391 : vector<1x1x16xf32> to vector<16xf32>
        %swap3A_393 = vector.shape_cast %mul3A_386 : vector<16xf32> to vector<1x1x16xf32>
        tpu.vector_store %arg9[%swap3A_388, %swap3A_389, %swap3A_390], %swap3A_393 {strides = array<i32>} : memref<2x200x64xf32, #tpu.memory_space<vmem>>, vector<1x1x16xf32>,
      }
      %scan3A_283 = arith.constant 200 : i32
      %add3A_284 = arith.addi %add3A_65, %add3A_241 : i32
      %dma_start3A_285 = arith.constant 1 : i32
      %dma_start3A_286 = arith.constant 1 : i32
      %dma_start3A_287 = arith.constant 0 : i32
      %dma_start3A_288 = arith.constant 0 : i32
      %dma_start3A_289 = tpu.memref_slice %arg9[%dma_start3A_285, %dma_start3A_287, %dma_start3A_288] : memref<2x200x64xf32, #tpu.memory_space<vmem>> -> memref<1x200x64xf32, #tpu.memory_space<vmem>>
      %dma_start3A_290 = tpu.memref_squeeze %dma_start3A_289 : memref<1x200x64xf32, #tpu.memory_space<vmem>> -> memref<200x64xf32, #tpu.memory_space<vmem>>
      %dma_start3A_291 = arith.constant 0 : i32
      %dma_start3A_292 = arith.constant 0 : i32
      %dma_start3A_293 = tpu.memref_slice %arg5[%add3A_284, %dma_start3A_291, %dma_start3A_292] : memref<4096x200x64xf32, #tpu.memory_space<hbm>> -> memref<1x200x64xf32, #tpu.memory_space<hbm>>
      %dma_start3A_294 = tpu.memref_squeeze %dma_start3A_293 : memref<1x200x64xf32, #tpu.memory_space<hbm>> -> memref<200x64xf32, #tpu.memory_space<hbm>>
      %dma_start3A_295 = tpu.memref_slice %arg11[%dma_start3A_286] : memref<2x!tpu.dma_semaphore, #tpu.memory_space<semaphore_mem>> -> memref<1x!tpu.dma_semaphore, #tpu.memory_space<semaphore_mem>>
      %dma_start3A_296 = tpu.memref_squeeze %dma_start3A_295 : memref<1x!tpu.dma_semaphore, #tpu.memory_space<semaphore_mem>> -> memref<!tpu.dma_semaphore, #tpu.memory_space<semaphore_mem>>
      %dma_start3A_297 = arith.constant 0 : i32
      %dma_start3A_298 = arith.constant 0 : i32
      %dma_start3A_299 = tpu.memref_slice %arg5[%add3A_284, %dma_start3A_297, %dma_start3A_298] : memref<4096x200x64xf32, #tpu.memory_space<hbm>> -> memref<1x200x64xf32, #tpu.memory_space<hbm>>
      %dma_start3A_300 = tpu.memref_squeeze %dma_start3A_299 : memref<1x200x64xf32, #tpu.memory_space<hbm>> -> memref<200x64xf32, #tpu.memory_space<hbm>>
      %dma_start3A_301 = arith.constant 0 : i32
      %dma_start3A_302 = arith.constant 0 : i32
      %dma_start3A_303 = tpu.memref_slice %arg9[%dma_start3A_285, %dma_start3A_301, %dma_start3A_302] : memref<2x200x64xf32, #tpu.memory_space<vmem>> -> memref<1x200x64xf32, #tpu.memory_space<vmem>>
      %dma_start3A_304 = tpu.memref_squeeze %dma_start3A_303 : memref<1x200x64xf32, #tpu.memory_space<vmem>> -> memref<200x64xf32, #tpu.memory_space<vmem>>
      tpu.enqueue_dma source(%dma_start3A_304 : memref<200x64xf32, #tpu.memory_space<vmem>>) target(%dma_start3A_300 : memref<200x64xf32, #tpu.memory_space<hbm>>) target_semaphore(%dma_start3A_296 : memref<!tpu.dma_semaphore, #tpu.memory_space<semaphore_mem>>)
      %lt3A_305 = arith.constant 31 : i32
      %lt3A_306 = arith.cmpi slt, %add3A_170, %lt3A_305 : i32
      %convert_element_type3A_307 = arith.extui %lt3A_306 : i1 to i32
      %cond3A_308 = arith.constant 0 : i32
      %cond3A_309 = arith.cmpi ne, %convert_element_type3A_307, %cond3A_308 : i32
      scf.if %cond3A_309 {
        %add3A_310 = arith.constant 2 : i32
        %add3A_311 = arith.addi %add3A_241, %add3A_310 : i32
        %mul3A_312 = arith.constant 200 : i32
        %mul3A_313 = arith.muli %add3A_311, %mul3A_312 : i32
        %dma_start3A_314 = arith.constant 1 : i32
        %dma_start3A_315 = arith.constant 1 : i32
        %dma_start3A_316 = arith.constant 0 : i32
        %dma_start3A_317 = arith.constant 0 : i32
        %dma_start3A_318 = tpu.memref_slice %arg8[%dma_start3A_314, %dma_start3A_316, %dma_start3A_317] : memref<2x200x128xf32, #tpu.memory_space<vmem>> -> memref<1x128x128xf32, #tpu.memory_space<vmem>>
        %dma_start3A_319 = tpu.memref_squeeze %dma_start3A_318 : memref<1x128x128xf32, #tpu.memory_space<vmem>> -> memref<128x128xf32, #tpu.memory_space<vmem>>
        %dma_start3A_320 = tpu.memref_slice %arg6[%mul3A_313] : memref<12800xi32, #tpu.memory_space<vmem>> -> memref<128xi32, #tpu.memory_space<vmem>>
        %dma_start3A_321 = arith.constant 0 : i32
        %dma_start3A_322 = arith.constant 0 : i32
        %dma_start3A_323 = tpu.memref_slice %arg4[%dma_start3A_321, %dma_start3A_322] : memref<500000x128xf32, #tpu.memory_space<hbm>> -> memref<500000x128xf32, #tpu.memory_space<hbm>>
        %dma_start3A_324 = tpu.memref_slice %arg10[%dma_start3A_315] : memref<2x!tpu.dma_semaphore, #tpu.memory_space<semaphore_mem>> -> memref<1x!tpu.dma_semaphore, #tpu.memory_space<semaphore_mem>>
        %dma_start3A_325 = tpu.memref_squeeze %dma_start3A_324 : memref<1x!tpu.dma_semaphore, #tpu.memory_space<semaphore_mem>> -> memref<!tpu.dma_semaphore, #tpu.memory_space<semaphore_mem>>
        tpu.enqueue_indirect_dma source(%dma_start3A_323 : memref<500000x128xf32, #tpu.memory_space<hbm>>) target(%dma_start3A_319 : memref<128x128xf32, #tpu.memory_space<vmem>>) offsets(%dma_start3A_320 : memref<128xi32, #tpu.memory_space<vmem>>) semaphore(%dma_start3A_325 : memref<!tpu.dma_semaphore, #tpu.memory_space<semaphore_mem>>)
        %mul3A_326 = arith.constant 200 : i32
        %mul3A_327 = arith.muli %add3A_311, %mul3A_326 : i32
        %add3A_328 = arith.constant 128 : i32
        %add3A_329 = arith.addi %mul3A_327, %add3A_328 : i32
        %dma_start3A_330 = arith.constant 1 : i32
        %dma_start3A_331 = arith.constant 1 : i32
        %dma_start3A_332 = arith.constant 128 : i32
        %dma_start3A_333 = arith.constant 0 : i32
        %dma_start3A_334 = tpu.memref_slice %arg8[%dma_start3A_330, %dma_start3A_332, %dma_start3A_333] : memref<2x200x128xf32, #tpu.memory_space<vmem>> -> memref<1x72x128xf32, #tpu.memory_space<vmem>>
        %dma_start3A_335 = tpu.memref_squeeze %dma_start3A_334 : memref<1x72x128xf32, #tpu.memory_space<vmem>> -> memref<72x128xf32, #tpu.memory_space<vmem>>
        %dma_start3A_336 = tpu.memref_slice %arg6[%add3A_329] : memref<12800xi32, #tpu.memory_space<vmem>> -> memref<72xi32, #tpu.memory_space<vmem>>
        %dma_start3A_337 = arith.constant 0 : i32
        %dma_start3A_338 = arith.constant 0 : i32
        %dma_start3A_339 = tpu.memref_slice %arg4[%dma_start3A_337, %dma_start3A_338] : memref<500000x128xf32, #tpu.memory_space<hbm>> -> memref<500000x128xf32, #tpu.memory_space<hbm>>
        %dma_start3A_340 = tpu.memref_slice %arg10[%dma_start3A_331] : memref<2x!tpu.dma_semaphore, #tpu.memory_space<semaphore_mem>> -> memref<1x!tpu.dma_semaphore, #tpu.memory_space<semaphore_mem>>
        %dma_start3A_341 = tpu.memref_squeeze %dma_start3A_340 : memref<1x!tpu.dma_semaphore, #tpu.memory_space<semaphore_mem>> -> memref<!tpu.dma_semaphore, #tpu.memory_space<semaphore_mem>>
        tpu.enqueue_indirect_dma source(%dma_start3A_339 : memref<500000x128xf32, #tpu.memory_space<hbm>>) target(%dma_start3A_335 : memref<72x128xf32, #tpu.memory_space<vmem>>) offsets(%dma_start3A_336 : memref<72xi32, #tpu.memory_space<vmem>>) semaphore(%dma_start3A_341 : memref<!tpu.dma_semaphore, #tpu.memory_space<semaphore_mem>>)
      } else {
      }
    }
    %scan3A_126 = arith.constant 32 : i32
    %dma_wait3A = arith.constant 0 : i32
    %dma_wait3A_127 = arith.constant 0 : i32
    %dma_wait3A_128 = arith.constant 0 : i32
    %dma_wait3A_129 = arith.constant 0 : i32
    %dma_wait3A_130 = tpu.memref_slice %arg9[%dma_wait3A, %dma_wait3A_128, %dma_wait3A_129] : memref<2x200x64xf32, #tpu.memory_space<vmem>> -> memref<1x200x64xf32, #tpu.memory_space<vmem>>
    %dma_wait3A_131 = tpu.memref_squeeze %dma_wait3A_130 : memref<1x200x64xf32, #tpu.memory_space<vmem>> -> memref<200x64xf32, #tpu.memory_space<vmem>>
    %dma_wait3A_132 = arith.constant 0 : i32
    %dma_wait3A_133 = arith.constant 0 : i32
    %dma_wait3A_134 = tpu.memref_slice %arg5[%mul3A_2, %dma_wait3A_132, %dma_wait3A_133] : memref<4096x200x64xf32, #tpu.memory_space<hbm>> -> memref<1x200x64xf32, #tpu.memory_space<hbm>>
    %dma_wait3A_135 = tpu.memref_squeeze %dma_wait3A_134 : memref<1x200x64xf32, #tpu.memory_space<hbm>> -> memref<200x64xf32, #tpu.memory_space<hbm>>
    %dma_wait3A_136 = tpu.memref_slice %arg11[%dma_wait3A_127] : memref<2x!tpu.dma_semaphore, #tpu.memory_space<semaphore_mem>> -> memref<1x!tpu.dma_semaphore, #tpu.memory_space<semaphore_mem>>
    %dma_wait3A_137 = tpu.memref_squeeze %dma_wait3A_136 : memref<1x!tpu.dma_semaphore, #tpu.memory_space<semaphore_mem>> -> memref<!tpu.dma_semaphore, #tpu.memory_space<semaphore_mem>>
    %dma_wait3A_138 = arith.constant 0 : i32
    %dma_wait3A_139 = arith.constant 0 : i32
    %dma_wait3A_140 = tpu.memref_slice %arg5[%mul3A_2, %dma_wait3A_138, %dma_wait3A_139] : memref<4096x200x64xf32, #tpu.memory_space<hbm>> -> memref<1x200x64xf32, #tpu.memory_space<hbm>>
    %dma_wait3A_141 = tpu.memref_squeeze %dma_wait3A_140 : memref<1x200x64xf32, #tpu.memory_space<hbm>> -> memref<200x64xf32, #tpu.memory_space<hbm>>
    %dma_wait3A_142 = arith.constant 0 : i32
    %dma_wait3A_143 = arith.constant 0 : i32
    %dma_wait3A_144 = tpu.memref_slice %arg9[%dma_wait3A, %dma_wait3A_142, %dma_wait3A_143] : memref<2x200x64xf32, #tpu.memory_space<vmem>> -> memref<1x200x64xf32, #tpu.memory_space<vmem>>
    %dma_wait3A_145 = tpu.memref_squeeze %dma_wait3A_144 : memref<1x200x64xf32, #tpu.memory_space<vmem>> -> memref<200x64xf32, #tpu.memory_space<vmem>>
    tpu.wait_dma2 semaphore(%dma_wait3A_137 : memref<!tpu.dma_semaphore, #tpu.memory_space<semaphore_mem>>) src(%dma_wait3A_145 : memref<200x64xf32, #tpu.memory_space<vmem>>) dst(%dma_wait3A_141 : memref<200x64xf32, #tpu.memory_space<hbm>>)
    %dma_wait3A_146 = arith.constant 1 : i32
    %dma_wait3A_147 = arith.constant 1 : i32
    %dma_wait3A_148 = arith.constant 0 : i32
    %dma_wait3A_149 = arith.constant 0 : i32
    %dma_wait3A_150 = tpu.memref_slice %arg9[%dma_wait3A_146, %dma_wait3A_148, %dma_wait3A_149] : memref<2x200x64xf32, #tpu.memory_space<vmem>> -> memref<1x200x64xf32, #tpu.memory_space<vmem>>
    %dma_wait3A_151 = tpu.memref_squeeze %dma_wait3A_150 : memref<1x200x64xf32, #tpu.memory_space<vmem>> -> memref<200x64xf32, #tpu.memory_space<vmem>>
    %dma_wait3A_152 = arith.constant 0 : i32
    %dma_wait3A_153 = arith.constant 0 : i32
    %dma_wait3A_154 = tpu.memref_slice %arg5[%mul3A_2, %dma_wait3A_152, %dma_wait3A_153] : memref<4096x200x64xf32, #tpu.memory_space<hbm>> -> memref<1x200x64xf32, #tpu.memory_space<hbm>>
    %dma_wait3A_155 = tpu.memref_squeeze %dma_wait3A_154 : memref<1x200x64xf32, #tpu.memory_space<hbm>> -> memref<200x64xf32, #tpu.memory_space<hbm>>
    %dma_wait3A_156 = tpu.memref_slice %arg11[%dma_wait3A_147] : memref<2x!tpu.dma_semaphore, #tpu.memory_space<semaphore_mem>> -> memref<1x!tpu.dma_semaphore, #tpu.memory_space<semaphore_mem>>
    %dma_wait3A_157 = tpu.memref_squeeze %dma_wait3A_156 : memref<1x!tpu.dma_semaphore, #tpu.memory_space<semaphore_mem>> -> memref<!tpu.dma_semaphore, #tpu.memory_space<semaphore_mem>>
    %dma_wait3A_158 = arith.constant 0 : i32
    %dma_wait3A_159 = arith.constant 0 : i32
    %dma_wait3A_160 = tpu.memref_slice %arg5[%mul3A_2, %dma_wait3A_158, %dma_wait3A_159] : memref<4096x200x64xf32, #tpu.memory_space<hbm>> -> memref<1x200x64xf32, #tpu.memory_space<hbm>>
    %dma_wait3A_161 = tpu.memref_squeeze %dma_wait3A_160 : memref<1x200x64xf32, #tpu.memory_space<hbm>> -> memref<200x64xf32, #tpu.memory_space<hbm>>
    %dma_wait3A_162 = arith.constant 0 : i32
    %dma_wait3A_163 = arith.constant 0 : i32
    %dma_wait3A_164 = tpu.memref_slice %arg9[%dma_wait3A_146, %dma_wait3A_162, %dma_wait3A_163] : memref<2x200x64xf32, #tpu.memory_space<vmem>> -> memref<1x200x64xf32, #tpu.memory_space<vmem>>
    %dma_wait3A_165 = tpu.memref_squeeze %dma_wait3A_164 : memref<1x200x64xf32, #tpu.memory_space<vmem>> -> memref<200x64xf32, #tpu.memory_space<vmem>>
    tpu.wait_dma2 semaphore(%dma_wait3A_157 : memref<!tpu.dma_semaphore, #tpu.memory_space<semaphore_mem>>) src(%dma_wait3A_165 : memref<200x64xf32, #tpu.memory_space<vmem>>) dst(%dma_wait3A_161 : memref<200x64xf32, #tpu.memory_space<hbm>>)
    return
  }
}

</mosaic_0001>

<sc_bundles>
// kernel: kernel.3.cloned.1.call-start
scs
__scs_entry_jumppad:
0x0: {  	(pc) =	sbr.rel $0x88, $3  }
0x1: {  	(tag) =	ssettag $0x0;
	lr =	simm.s32 $0x1  }
0x2: {  	[smem:$0x3F9F] =	sst lr;
	_ =	strace $0xD0000000  }
0x3: {  	_ = 	snop  }
0x4: {  	_ = 	snop  }
0x5: {  	_ = 	snop  }
0x6: {  	_ = 	snop  }
0x7: {  	_ = 	snop  }
__scs_overlays_trampoline_lowered:
0x8: {  	[smem:$0x3FAE] =	sst s0  }
0x9: {  	[smem:$0x3FAF] =	sst s1  }
0xa: {  	[smem:$0x3FB0] =	sst s2  }
0xb: {  	[smem:$0x3FB1] =	sst s3  }
0xc: {  	[smem:$0x3FB2] =	sst s4  }
0xd: {  	[smem:$0x3FB3] =	sst s5  }
0xe: {  	[smem:$0x3FB4] =	sst s6  }
0xf: {  	[smem:$0x3FB5] =	sst s7  }
0x10: {  	[smem:$0x3FB6] =	sst s8  }
0x11: {  	[smem:$0x3FB7] =	sst s9;
	s0 =	simm.s32 @!p0 $0x0  }
0x12: {  	s1 =	sld [smem:$0x3F9D];
	s0 =	simm.s32 @p0 $0x1  }
0x13: {  	[smem:$0x3FB8] =	sst s0;
	s0 =	simm.s32 @!p1 $0x0  }
0x14: {  	s2 =	sld [smem:$0x3F9C];
	s0 =	simm.s32 @p1 $0x1  }
0x15: {  	[smem:$0x3FB9] =	sst s0;
	s0 =	simm.s32 @!p2 $0x0  }
0x16: {  	s3 =	sld [smem:$0x3FDB];
	s0 =	simm.s32 @p2 $0x1  }
0x17: {  	s4 =	simm.s32 $0x1BF5;
	[smem:$0x3FBB] =	sst s0  }
0x18: {  	s0 =	sld [smem:$0x3F9E];
	_ =	swait.ge [sflag:s4], $0x0  }
0x19: {  	s7 =	sld [smem:$0x3F9F]  }
0x1a: {  	s8 =	sadd.s32 $0xFFFFE003, lr  }
0x1b: {  	s9 =	sadd.s32 $0xFFFFFEF7, lr;
	s5 =	simm.s32 $0xFFFFFFFF;
	p2 =	slt.u32 s8, $0xFFFFF086  }
0x1c: {  	p1 =	slt.u32 s9, $0xF7A;
	s5 =	simm.s32 @!p2 $0x0  }
0x1d: {  	s5 =	simm.s32 @p1 $0x1;
	p0 =	seq.s32 s7, s2  }
0x1e: {  	s7 =	smul.u32 @!p0 $0xF7A, s2;
	p2 =	seq.s32 @!p0 s5, $0x0  }
0x1f: {  	s9 =	smul.u32 $0xF7A, s1;
	s8 =	simm.s32 @!p0 $0x1BF5;
	p2 =	por !p2, p0  }
0x20: {  	[sflag:s8] =	ssyncset.s32 @!p0 $0xFFFFF086;
	s6 =	sadd.s32 @!p0 s3, s7;
	s7 =	simm.s32 @!p0 $0x108  }
0x21: {  	s3 =	sadd.s32 s3, s9;
	s6 =	sadd.s32 @!p0 $0x88, s6;
	s7 =	simm.s32 @p2 $0x1082  }
0x22: {  	[simem:s7], [sflag:s8] =	dma.local @!p0 [hbm:s6], $0xF7A  }
0x23: {  	s9 =	sor.u32 $0xD0000000, s2;
	s6 =	simm.s32 $0x108;
	_ =	swait.ge @!p0 [sflag:s8], $0x0  }
0x24: {  	s3 =	sadd.s32 $0x88, s3;
	s6 =	simm.s32 @!p1 $0x1082;
	[sflag:s4] =	ssyncset.s32 $0xFFFFF086  }
0x25: {  	[simem:s6], [sflag:s4] =	dma.local [hbm:s3], $0xF7A  }
0x26: {  	[smem:$0x3F9F] =	sst s1;
	(tag) =	ssettag s2;
	_ =	strace s9  }
0x27: {  	s1 =	sld [smem:$0x3FAF]  }
0x28: {  	s2 =	sld [smem:$0x3FB0]  }
0x29: {  	s4 =	sld [smem:$0x3FB2]  }
0x2a: {  	p0 =	seq.s32 s5, $0x0;
	s5 =	sld [smem:$0x3FB3]  }
0x2b: {  	s6 =	sld [smem:$0x3FB4]  }
0x2c: {  	s7 =	sld [smem:$0x3FB5]  }
0x2d: {  	s3 =	simm.s32 $0x108;
	s8 =	sld [smem:$0x3FB6]  }
0x2e: {  	s3 =	simm.s32 @!p0 $0x1082;
	s9 =	sld [smem:$0x3FB7]  }
0x2f: {  	lr =	sadd.s32 s0, s3;
	s0 =	sld [smem:$0x3FAE]  }
0x30: {  	s3 =	sld [smem:$0x3FB1]  }
0x31: {  	[smem:$0x3FBA] =	sst s10  }
0x32: {  	s10 =	sld [smem:$0x3FB8];
	_ =	sdelay $0x3  }
0x33: {  	p0 =	seq.s32 s10, $0x1;
	s10 =	sld [smem:$0x3FBA];
	_ =	sdelay $0x3  }
0x34: {  	[smem:$0x3FBA] =	sst s10  }
0x35: {  	s10 =	sld [smem:$0x3FB9];
	_ =	sdelay $0x3  }
0x36: {  	p1 =	seq.s32 s10, $0x1;
	s10 =	sld [smem:$0x3FBA];
	_ =	sdelay $0x3  }
0x37: {  	[smem:$0x3FBA] =	sst s10  }
0x38: {  	s10 =	sld [smem:$0x3FBB]  }
0x39: {  	_ = 	snop;
	(pc) =	sbr.ind lr, $3  }
0x3a: {  	_ = 	snop  }
0x3b: {  	_ = 	snop  }
0x3c: {  	p2 =	seq.s32 s10, $0x1;
	s10 =	sld [smem:$0x3FBA]  }
0x3d: {  	_ =	shalt  }
0x3e: {  	_ =	shalt  }
0x3f: {  	_ =	shalt  }
0x40: {  	_ =	shalt  }
0x41: {  	_ =	shalt  }
0x42: {  	_ =	shalt  }
0x43: {  	_ =	shalt  }
0x44: {  	_ =	shalt  }
0x45: {  	_ =	shalt  }
0x46: {  	_ =	shalt  }
0x47: {  	_ =	shalt  }
0x48: {  	_ =	shalt  }
0x49: {  	_ =	shalt  }
0x4a: {  	_ =	shalt  }
0x4b: {  	_ =	shalt  }
0x4c: {  	_ =	shalt  }
0x4d: {  	_ =	shalt  }
0x4e: {  	_ =	shalt  }
0x4f: {  	_ =	shalt  }
0x50: {  	_ =	shalt  }
0x51: {  	_ =	shalt  }
0x52: {  	_ =	shalt  }
0x53: {  	_ =	shalt  }
0x54: {  	_ =	shalt  }
0x55: {  	_ =	shalt  }
0x56: {  	_ =	shalt  }
0x57: {  	_ =	shalt  }
0x58: {  	_ =	shalt  }
0x59: {  	_ =	shalt  }
0x5a: {  	_ =	shalt  }
0x5b: {  	_ =	shalt  }
0x5c: {  	_ =	shalt  }
0x5d: {  	_ =	shalt  }
0x5e: {  	_ =	shalt  }
0x5f: {  	_ =	shalt  }
0x60: {  	_ =	shalt  }
0x61: {  	_ =	shalt  }
0x62: {  	_ =	shalt  }
0x63: {  	_ =	shalt  }
0x64: {  	_ =	shalt  }
0x65: {  	_ =	shalt  }
0x66: {  	_ =	shalt  }
0x67: {  	_ =	shalt  }
0x68: {  	_ =	shalt  }
0x69: {  	_ =	shalt  }
0x6a: {  	_ =	shalt  }
0x6b: {  	_ =	shalt  }
0x6c: {  	_ =	shalt  }
0x6d: {  	_ =	shalt  }
0x6e: {  	_ =	shalt  }
0x6f: {  	_ =	shalt  }
0x70: {  	_ =	shalt  }
0x71: {  	_ =	shalt  }
0x72: {  	_ =	shalt  }
0x73: {  	_ =	shalt  }
0x74: {  	_ =	shalt  }
0x75: {  	_ =	shalt  }
0x76: {  	_ =	shalt  }
0x77: {  	_ =	shalt  }
0x78: {  	_ =	shalt  }
0x79: {  	_ =	shalt  }
0x7a: {  	_ =	shalt  }
0x7b: {  	_ =	shalt  }
0x7c: {  	_ =	shalt  }
0x7d: {  	_ =	shalt  }
0x7e: {  	_ =	shalt  }
0x7f: {  	_ =	shalt  }
0x80: {  	_ =	shalt  }
0x81: {  	_ =	shalt  }
0x82: {  	_ =	shalt  }
0x83: {  	_ =	shalt  }
0x84: {  	_ =	shalt  }
0x85: {  	_ =	shalt  }
0x86: {  	_ =	shalt  }
0x87: {  	_ =	shalt  }
.Lfunc_end0:
.L_simem_size_0:
called_computation_lowered:
.L_overlay_start_0:
0x88: {  	s2 =	sld [smem:$0x3FD9]  }
0x89: {  	s3 =	sld [smem:$0x3FFE];
	_ =	sdelay $0x1  }
0x8a: {  	s1 =	srdreg.scid  }
0x8b: {  	s0 =	sand.u32 $0x1, s1  }
0x8c: {  	s17 =	sshll.u32 s0, $0xA;
	s2 =	sadd.s32 s3, s2  }
0x8d: {  	s2 =	sadd.s32 s2, s17  }
0x8e: {  	[smem:$0x3FC6] =	sst s2  }
0x8f: {  	_ = 	snop  }
0x90: {  	s2 =	sld [smem:$0x3FD0];
	(tm) =	ssettm $0x1  }
0x91: {  	s18 =	sld [smem:$0x3FFB];
	_ =	sdelay $0x3  }
0x92: {  	_ =	strace s18  }
0x93: {  	s3 =	sld [smem:$0x3FFC];
	_ =	sdelay $0x3  }
0x94: {  	_ =	strace s3  }
0x95: {  	s3 =	sld [smem:$0x3FFD];
	_ =	sdelay $0x3  }
0x96: {  	_ =	strace s3  }
0x97: {  	_ =	strace $0x8FFFFFFF  }
0x98: {  	s19 =	sld [smem:$0x3FDB];
	_ =	sdelay $0x1  }
0x99: {  	s4 =	simm.s32 $_scs_section_size  }
0x9a: {  	s5 =	simm.s32 $_size__tile_overlayer_lowered;
	s6 =	simm.s32 $_tile_overlayer_lowered  }
0x9b: {  	s22 =	simm.s32 $0x1BFF;
	s21 =	sshll.u32 s6, $0x1;
	s3 =	sadd.s32 s4, s19  }
0x9c: {  	s7 =	simm.s32 $0x0;
	s20 =	sshll.u32 s5, $0x1;
	s5 =	sadd.s32 s21, s3  }
0x9d: {  	[timem:s7], [sflag:s22] =	dma.local [hbm:s5], s20  }
0x9e: {  	_ =	swait.ge [sflag:s22], s20  }
0x9f: {  	s4 =	ssub.s32 $0x0, s20;
	[sflag:s22] =	ssyncset.done $0x0  }
0xa0: {  	[sflag:s22] =	ssyncadd.s32 s4;
	_ =	sdelay $0x1  }
0xa1: {  	s23 =	simm.s32 $0x1B8B  }
0xa2: {  	_ =	swait.ge [sflag:s23], $0x1  }
0xa3: {  	[sflag:s23] =	ssyncset.done $0x0  }
0xa4: {  	s25 =	simm.s32 $0x1B8E;
	s24 =	sld [smem:$0x3FFE];
	[sflag:s23] =	ssyncadd.s32 $0xFFFFFFFF  }
0xa5: {  	s26 =	simm.s32 $execute0_lowered;
	[smem:$0x3FD2] =	sst s25  }
0xa6: {  	s5 =	sshll.u32 s26, $0x1;
	_ =	strace $0x80000046;
	[dreg:$0x1] =	wrdreg $0xFFFFFFFF  }
0xa7: {  	s28 =	simm.s32 $_size_execute0_lowered;
	s3 =	sadd.s32 s3, s5;
	[dreg:$0x0] =	wrdreg $0x0  }
0xa8: {  	s5 =	sshll.u32 s28, $0x1;
	[dreg:$0x2] =	wrdreg s3  }
0xa9: {  	[dreg:$0x3] =	wrdreg s5  }
0xaa: {  	[dreg:$0x4] =	wrdreg $0xC0  }
0xab: {  	_ =	task [dreg:s7], $0x5FFFF  }
0xac: {  	[dreg:$0x1] =	wrdreg $0xFFFFFFFF  }
0xad: {  	[dreg:$0x0] =	wrdreg $0x60  }
0xae: {  	[dreg:$0x2] =	wrdreg s2  }
0xaf: {  	[dreg:$0x3] =	wrdreg s24  }
0xb0: {  	[dreg:$0x4] =	wrdreg $0x9  }
0xb1: {  	_ =	task.clear_ibuf [dreg:s7], $0x5FFFF;
	_ =	strace $0x90000046  }
0xb2: {  	s29 =	simm.s32 $0x9;
	_ =	strace $0x80000048  }
0xb3: {  	_ =	swait.ge [sflag:s29], $0x1  }
0xb4: {  	[sflag:s29] =	ssyncadd.s32 $0xFFFFFFFF  }
0xb5: {  	_ =	strace $0x90000048  }
0xb6: {  	_ =	sfence  }
0xb7: {  	s30 =	sld [smem:$0x0];
	_ =	sdelay $0x2  }
0xb8: {  	s31 =	sshll.u32 s1, $0xD;
	s1 =	sshrl.u32 s1, $0x2  }
0xb9: {  	s3 =	sand.u32 $0x4000, s31;
	s1 =	sadd.s32 s1, s30  }
0xba: {  	s0 =	sor.u32 s3, s0;
	s1 =	sshll.u32 s1, $0x11  }
0xbb: {  	s0 =	sor.u32 s1, s0  }
0xbc: {  	s0 =	sadd.s32 $0x8F2B, s0  }
0xbd: {  	[sflag:s0] =	ssyncadd.remote.s32 $0x1  }
0xbe: {  	_ =	sfence.sel $0xFFFF  }
0xbf: {  	[dreg:$0x0] =	wrdreg $0xFFFFFFFF;
	(pc) =	sbr.abs _section_cstart, $3  }
0xc0: {  	[dreg:$0x1] =	wrdreg $0xFFFFFFFF  }
0xc1: {  	_ =	task.clear_ibuf [dreg:s7], $0x2FFFF;
	_ =	strace $0x9FFFFFFF  }
0xc2: {  	(tm) =	ssettm $0x7FFFFFFF  }
0xc3: {  	_ =	shalt  }
tec
execute0_lowered:
.L_overlay_start_1:
0x0: {  	(tag) =	ssettag $0x1  }
0x1: {  	s0 =	rddreg [dreg:$0x0]  }
0x2: {  	s1 =	rddreg [dreg:$0x1];
	s3 =	srdreg.scid  }
0x3: {  	s5 =	stileid.u32;
	s2 =	simm.s32 $0x0;
	s12 =	simm.s32 $0x5  }
0x4: {  	s13 =	simm.s32 $0x80;
	s15 =	simm.s32 $0x48;
	s18 =	simm.s32 $0xC800  }
0x5: {  	s19 =	simm.s32 $0x148;
	s20 =	simm.s32 $0x10800;
	s21 =	simm.s32 $0x1  }
0x6: {  	s22 =	simm.s32 $0x12C00;
	s23 =	simm.s32 $0x2;
	s24 =	simm.s32 $0x19000  }
0x7: {  	s25 =	simm.s32 $0x3;
	s28 =	simm.s32 $0x0;
	s4 =	sand.u32 $0x1, s3  }
0x8: {  	s26 =	sshll.u32 s5, $0x1;
	[smem:$0x7FF] =	sst s2;
	s10 =	sadd.s32 $0x600, s1  }
0x9: {  	s6 =	sadd.s32 $0x19600, s1;
	s5 =	sor.u32 s4, s26;
	_ =	strace $0x80000047  }
0xa: {  	s7 =	ssub.s32 $0x2, s4;
	s3 =	sshll.u32 s5, $0x7;
	s8 =	smul.u32 $0xC80, s5  }
.Ltmp0:
0xb: {  	s26 =	simm.s32 $0x4;
	s4 =	sor.u32 $0x40, s3;
	(pc) =	sbr.rel .LBB2_1-.Ltmp0, $4  }
0xc: {  	s9 =	sshrl.u32 s7, $0x1;
	s11 =	smul.u32 $0x19, s4;
	s30 =	sadd.s32 s0, s8  }
0xd: {  	s5 =	sadd.s32 $0xF5BA00, s1;
	s31 =	sadd.s32 s10, s8;
	[dreg:$0x3] =	wrdreg s30  }
0xe: {  	s29 =	ssub.s32 s7, s9;
	[dreg:$0x4] =	wrdreg s31;
	s0 =	sadd.s32 s0, s11  }
0xf: {  	s10 =	sadd.s32 s10, s11;
	s11 =	smax.u32 s29, $0x1;
	[dreg:$0x5] =	wrdreg s0  }
.LBB2_15:
0x10: {  	s28 =	sadd.s32 $0x1, s28  }
0x11: {  	_ =	swait.ge [sflag:s25], $0x6400;
	p0 =	sne.s32 s28, s11  }
.Ltmp1:
0x12: {  	[sflag:s25] =	ssyncset.done $0x0;
	(pc) =	sbr.rel @!p0 .LBB2_16-.Ltmp1, $4  }
0x13: {  	[sflag:s25] =	ssyncadd.s32 $0xFFFF9C00  }
0x14: {  	_ =	swait.ge [sflag:s26], $0x6400  }
0x15: {  	[sflag:s26] =	ssyncset.done $0x0  }
0x16: {  	[sflag:s26] =	ssyncadd.s32 $0xFFFF9C00  }
.LBB2_1:
0x17: {  	s0 =	rddreg [dreg:$0x3]  }
0x18: {  	[tilespmem:s2], [sflag:$0x5] =	stream.linear.gather [hbm4b:s0+s2], $0x3200, $0x38;
	[tilespmem:$0x1F400] =	vst v63  }
0x19: {  	_ =	swait.ge [sflag:s12], $0x3200  }
0x1a: {  	[sflag:s12] =	ssyncset.done $0x0  }
0x1b: {  	s7 =	simm.s32 $0x3200;
	s14 =	rddreg [dreg:$0x4];
	[sflag:s12] =	ssyncadd.s32 $0xFFFFCE00  }
0x1c: {  	[tilespmem:s7], [sflag:$0x5] =	stream.linear.gather [hbm4b:s14+s2], $0x3200, $0x38;
	[tilespmem:$0x1F400] =	vst v63  }
0x1d: {  	_ =	swait.ge [sflag:s12], $0x3200  }
0x1e: {  	[sflag:s12] =	ssyncset.done $0x0  }
0x1f: {  	s16 =	simm.s32 $0x6400;
	[sflag:s12] =	ssyncadd.s32 $0xFFFFCE00  }
0x20: {  	[tilespmem:s16], [sflag:$0x1] =	stream.indirect.gather [hbm4b:s5+s13], $0x80, s2, s13, $0xb8;
	[tilespmem:$0x1F400] =	vst v63  }
0x21: {  	s17 =	simm.s32 $0xA400  }
0x22: {  	[tilespmem:s17], [sflag:$0x1] =	stream.indirect.gather [hbm4b:s5+s15], $0x80, s13, s15, $0xb8;
	[tilespmem:$0x1F400] =	vst v63  }
0x23: {  	s29 =	simm.s32 $0xC8  }
0x24: {  	[tilespmem:s18], [sflag:$0x2] =	stream.indirect.gather [hbm4b:s5+s13], $0x80, s29, s13, $0xb8;
	[tilespmem:$0x1F400] =	vst v63  }
0x25: {  	s30 =	simm.s32 $0x32C8;
	s31 =	simm.s32 $0x0  }
0x26: {  	[tilespmem:s20], [sflag:$0x2] =	stream.indirect.gather [hbm4b:s5+s15], $0x80, s19, s15, $0xb8;
	[tilespmem:$0x1F400] =	vst v63  }
.LBB2_2:
0x27: {  	_ =	swait.ge [sflag:s21], $0x4000  }
0x28: {  	[sflag:s21] =	ssyncset.done $0x0  }
0x29: {  	[sflag:s21] =	ssyncadd.s32 $0xFFFFC000  }
0x2a: {  	_ =	swait.ge [sflag:s21], $0x2400  }
0x2b: {  	p0 =	seq.s32 s31, $0x0;
	[sflag:s21] =	ssyncset.done $0x0  }
0x2c: {  	s0 =	simm.s32 @!p0 $0x3;
	[sflag:s21] =	ssyncadd.s32 $0xFFFFDC00  }
0x2d: {  	_ =	swait.ge @!p0 [sflag:s0], $0x6400  }
0x2e: {  	[sflag:s0] =	ssyncset.done @!p0 $0x0  }
0x2f: {  	s1 =	sshll.u32 s31, $0x1;
	s14 =	simm.s32 $0x0;
	[sflag:s0] =	ssyncadd.s32 @!p0 $0xFFFF9C00  }
0x30: {  	s16 =	simm.s32 $0x200;
	s29 =	smov.u32 s7;
	s0 =	smul.u32 $0x640, s31;
	v0 =	vld.msk [tilespmem:s7+$0x0], $0x1  }
.LBB2_3:
0x31: {  	p1 =	sne.s32 s16, $0x18E00;
	_ =	sdelay $0x3  }
0x32: {  	(v2sf) =	vpush v0, $0x0;
	_ =	sdelay $0xe  }
0x33: {  	s17 =	spop (v2sf)  }
0x34: {  	s17 =	sand.u32 $0x1, s17  }
0x35: {  	s17 =	sshll.u32 s17, $0x8  }
0x36: {  	s8 =	sadd.s32 s17, s14;
	s17 =	sshrl.u32 s17, $0x2  }
0x37: {  	s8 =	sshra.s32 s8, $0x2  }
0x38: {  	v0 =	vld [tilespmem:s8+$0x6400];
	_ =	sdelay $0x4  }
0x39: {  	v0 =	vmul.f32 $8.000000000e+00, v0  }
0x3a: {  	s9 =	sshra.s32 s14, $0x2;
	s14 =	smov.u32 s16  }
0x3b: {  	s17 =	sadd.s32 s9, s17;
	[tilespmem:s9+$0x12C00] =	vst v0  }
0x3c: {  	v0 =	vld [tilespmem:s17+$0x6410];
	_ =	sdelay $0x4  }
0x3d: {  	v0 =	vmul.f32 $8.000000000e+00, v0;
	_ =	sdelay $0x1  }
0x3e: {  	[tilespmem:s9+$0x12C10] =	vst v0  }
0x3f: {  	v0 =	vld [tilespmem:s17+$0x6420];
	_ =	sdelay $0x4  }
0x40: {  	v0 =	vmul.f32 $8.000000000e+00, v0;
	_ =	sdelay $0x1  }
0x41: {  	[tilespmem:s9+$0x12C20] =	vst v0  }
0x42: {  	v0 =	vld [tilespmem:s8+$0x6430];
	_ =	sdelay $0x3  }
.Ltmp2:
0x43: {  	(pc) =	sbr.rel @p1 .LBB2_3-.Ltmp2, $3  }
0x44: {  	v0 =	vmul.f32 $8.000000000e+00, v0;
	_ =	sdelay $0x1  }
0x45: {  	s29 =	sadd.s32 $0x1, s29;
	[tilespmem:s9+$0x12C30] =	vst v0  }
0x46: {  	s16 =	sadd.s32 $0x200, s16;
	v0 =	vld.msk [tilespmem:s29+$0x0], $0x1  }
0x47: {  	_ =	sdelay $0x3  }
0x48: {  	(v2sf) =	vpush v0, $0x0;
	_ =	sdelay $0xe  }
0x49: {  	s8 =	spop (v2sf)  }
0x4a: {  	s8 =	sand.u32 $0x1, s8  }
0x4b: {  	s8 =	sshll.u32 s8, $0x8  }
0x4c: {  	s9 =	sadd.s32 s8, s14  }
0x4d: {  	s9 =	sshra.s32 s9, $0x2  }
0x4e: {  	v0 =	vld [tilespmem:s9+$0x6400];
	_ =	sdelay $0x4  }
0x4f: {  	v0 =	vmul.f32 $8.000000000e+00, v0  }
0x50: {  	s16 =	sshra.s32 s14, $0x2;
	s8 =	sshrl.u32 s8, $0x2  }
0x51: {  	s8 =	sadd.s32 s16, s8;
	[tilespmem:s16+$0x12C00] =	vst v0  }
0x52: {  	v0 =	vld [tilespmem:s8+$0x6410];
	_ =	sdelay $0x4  }
0x53: {  	v0 =	vmul.f32 $8.000000000e+00, v0;
	_ =	sdelay $0x1  }
0x54: {  	[tilespmem:s16+$0x12C10] =	vst v0  }
0x55: {  	v0 =	vld [tilespmem:s8+$0x6420];
	_ =	sdelay $0x4  }
0x56: {  	v0 =	vmul.f32 $8.000000000e+00, v0;
	_ =	sdelay $0x1  }
0x57: {  	[tilespmem:s16+$0x12C20] =	vst v0  }
0x58: {  	v0 =	vld [tilespmem:s9+$0x6430];
	_ =	sdelay $0x3  }
0x59: {  	s17 =	sadd.s32 s3, s1  }
0x5a: {  	s8 =	smul.u32 $0xC80, s17;
	v0 =	vmul.f32 $8.000000000e+00, v0;
	_ =	sdelay $0x1  }
0x5b: {  	p1 =	seq.s32 s31, $0x1F;
	s8 =	sadd.s32 s6, s8;
	[tilespmem:s16+$0x12C30] =	vst v0  }
0x5c: {  	[hbm4b:s8+s2] =	stream.linear.scatter [tilespmem:s22], [sflag:$0x3], $0x6400, $0x38;
	[tilespmem:$0x1F400] =	vst v63  }
0x5d: {  	s8 =	sshra.s32 @!p1 s0, $0x2  }
0x5e: {  	s14 =	simm.s32 @!p1 $0x80;
	s16 =	simm.s32 @!p1 $0x6400;
	s9 =	sadd.s32 @!p1 $0x190, s8  }
0x5f: {  	[tilespmem:s16], [sflag:$0x1] =	stream.indirect.gather @!p1 [hbm4b:s5+s14], $0x80, s9, s14, $0xb8;
	[tilespmem:$0x1F400] =	vst v63  }
0x60: {  	s8 =	sadd.s32 @!p1 $0x210, s8;
	s9 =	simm.s32 @!p1 $0x48;
	s14 =	simm.s32 @!p1 $0xA400  }
0x61: {  	[tilespmem:s14], [sflag:$0x1] =	stream.indirect.gather @!p1 [hbm4b:s5+s9], $0x80, s8, s9, $0xb8;
	[tilespmem:$0x1F400] =	vst v63  }
0x62: {  	_ =	swait.ge [sflag:s23], $0x4000  }
0x63: {  	[sflag:s23] =	ssyncset.done $0x0  }
0x64: {  	[sflag:s23] =	ssyncadd.s32 $0xFFFFC000  }
0x65: {  	_ =	swait.ge [sflag:s23], $0x2400  }
0x66: {  	[sflag:s23] =	ssyncset.done $0x0  }
0x67: {  	s8 =	simm.s32 @!p0 $0x4;
	[sflag:s23] =	ssyncadd.s32 $0xFFFFDC00  }
0x68: {  	_ =	swait.ge @!p0 [sflag:s8], $0x6400  }
0x69: {  	[sflag:s8] =	ssyncset.done @!p0 $0x0  }
0x6a: {  	s1 =	sor.u32 $0x1, s1;
	[sflag:s8] =	ssyncadd.s32 @!p0 $0xFFFF9C00  }
0x6b: {  	s29 =	smov.u32 s30;
	s16 =	simm.s32 $0x200;
	s14 =	simm.s32 $0x0;
	v0 =	vld.msk [tilespmem:s30+$0x0], $0x1  }
.LBB2_5:
0x6c: {  	p0 =	sne.s32 s16, $0x18E00;
	_ =	sdelay $0x3  }
0x6d: {  	(v2sf) =	vpush v0, $0x0;
	_ =	sdelay $0xe  }
0x6e: {  	s8 =	spop (v2sf)  }
0x6f: {  	s8 =	sand.u32 $0x1, s8  }
0x70: {  	s9 =	sshra.s32 s14, $0x2;
	s14 =	smov.u32 s16;
	s8 =	sshll.u32 s8, $0x6  }
0x71: {  	s8 =	sadd.s32 s9, s8  }
0x72: {  	v0 =	vld [tilespmem:s8+$0xC800];
	_ =	sdelay $0x4  }
0x73: {  	v0 =	vmul.f32 $8.000000000e+00, v0;
	_ =	sdelay $0x1  }
0x74: {  	[tilespmem:s9+$0x19000] =	vst v0  }
0x75: {  	v0 =	vld [tilespmem:s8+$0xC810];
	_ =	sdelay $0x4  }
0x76: {  	v0 =	vmul.f32 $8.000000000e+00, v0;
	_ =	sdelay $0x1  }
0x77: {  	[tilespmem:s9+$0x19010] =	vst v0  }
0x78: {  	v0 =	vld [tilespmem:s8+$0xC820];
	_ =	sdelay $0x4  }
0x79: {  	v0 =	vmul.f32 $8.000000000e+00, v0;
	_ =	sdelay $0x1  }
0x7a: {  	[tilespmem:s9+$0x19020] =	vst v0  }
0x7b: {  	v0 =	vld [tilespmem:s8+$0xC830];
	_ =	sdelay $0x3  }
.Ltmp3:
0x7c: {  	(pc) =	sbr.rel @p0 .LBB2_5-.Ltmp3, $3  }
0x7d: {  	v0 =	vmul.f32 $8.000000000e+00, v0;
	_ =	sdelay $0x1  }
0x7e: {  	s29 =	sadd.s32 $0x1, s29;
	[tilespmem:s9+$0x19030] =	vst v0  }
0x7f: {  	s16 =	sadd.s32 $0x200, s16;
	v0 =	vld.msk [tilespmem:s29+$0x0], $0x1  }
0x80: {  	_ =	sdelay $0x3  }
0x81: {  	(v2sf) =	vpush v0, $0x0;
	_ =	sdelay $0xe  }
0x82: {  	s8 =	spop (v2sf)  }
0x83: {  	s8 =	sand.u32 $0x1, s8  }
0x84: {  	s9 =	sshra.s32 s14, $0x2;
	s8 =	sshll.u32 s8, $0x6  }
0x85: {  	s8 =	sadd.s32 s9, s8  }
0x86: {  	v63 =	vld [tilespmem:s8+$0xC800];
	_ =	sdelay $0x4  }
0x87: {  	v0 =	vmul.f32 $8.000000000e+00, v63;
	_ =	sdelay $0x1  }
0x88: {  	[tilespmem:s9+$0x19000] =	vst v0  }
0x89: {  	v0 =	vld [tilespmem:s8+$0xC810];
	_ =	sdelay $0x4  }
0x8a: {  	v0 =	vmul.f32 $8.000000000e+00, v0;
	_ =	sdelay $0x1  }
0x8b: {  	[tilespmem:s9+$0x19010] =	vst v0  }
0x8c: {  	v0 =	vld [tilespmem:s8+$0xC820];
	_ =	sdelay $0x4  }
0x8d: {  	v0 =	vmul.f32 $8.000000000e+00, v0;
	_ =	sdelay $0x1  }
0x8e: {  	[tilespmem:s9+$0x19020] =	vst v0  }
0x8f: {  	v0 =	vld [tilespmem:s8+$0xC830];
	_ =	sdelay $0x3  }
.Ltmp4:
0x90: {  	s1 =	sadd.s32 s3, s1;
	(pc) =	sbr.rel @p1 .LBB2_8-.Ltmp4, $3  }
0x91: {  	s1 =	smul.u32 $0xC80, s1;
	v0 =	vmul.f32 $8.000000000e+00, v0;
	_ =	sdelay $0x1  }
0x92: {  	s1 =	sadd.s32 s6, s1;
	[tilespmem:s9+$0x19030] =	vst v0  }
0x93: {  	[hbm4b:s1+s2] =	stream.linear.scatter [tilespmem:s24], [sflag:$0x4], $0x6400, $0x38;
	[tilespmem:$0x1F400] =	vst v63  }
.Ltmp5:
0x94: {  	s0 =	sshra.s32 s0, $0x2;
	(pc) =	sbr.rel .LBB2_2-.Ltmp5, $4  }
0x95: {  	s31 =	sadd.s32 $0x1, s31;
	s1 =	sadd.s32 $0x258, s0  }
0x96: {  	[tilespmem:s18], [sflag:$0x2] =	stream.indirect.gather [hbm4b:s5+s13], $0x80, s1, s13, $0xb8;
	[tilespmem:$0x1F400] =	vst v63  }
0x97: {  	s7 =	sadd.s32 $0x190, s7;
	s30 =	sadd.s32 $0x190, s30;
	s0 =	sadd.s32 $0x2D8, s0  }
0x98: {  	[tilespmem:s20], [sflag:$0x2] =	stream.indirect.gather [hbm4b:s5+s15], $0x80, s0, s15, $0xb8;
	[tilespmem:$0x1F400] =	vst v63  }
.LBB2_8:
0x99: {  	s29 =	simm.s32 $0x0;
	s0 =	rddreg [dreg:$0x5]  }
0x9a: {  	[tilespmem:s29], [sflag:$0x5] =	stream.linear.gather [hbm4b:s0+s29], $0x3200, $0x38;
	[tilespmem:$0x1F400] =	vst v63  }
0x9b: {  	_ =	swait.ge [sflag:s12], $0x3200  }
0x9c: {  	[sflag:s12] =	ssyncset.done $0x0  }
0x9d: {  	s30 =	simm.s32 $0x3200;
	[sflag:s12] =	ssyncadd.s32 $0xFFFFCE00  }
0x9e: {  	[tilespmem:s30], [sflag:$0x5] =	stream.linear.gather [hbm4b:s10+s29], $0x3200, $0x38;
	[tilespmem:$0x1F400] =	vst v63  }
0x9f: {  	_ =	swait.ge [sflag:s12], $0x3200  }
0xa0: {  	[sflag:s12] =	ssyncset.done $0x0  }
0xa1: {  	s14 =	simm.s32 $0x6400;
	[sflag:s12] =	ssyncadd.s32 $0xFFFFCE00  }
0xa2: {  	[tilespmem:s14], [sflag:$0x1] =	stream.indirect.gather [hbm4b:s5+s13], $0x80, s29, s13, $0xb8;
	[tilespmem:$0x1F400] =	vst v63  }
0xa3: {  	s16 =	simm.s32 $0xA400  }
0xa4: {  	[tilespmem:s16], [sflag:$0x1] =	stream.indirect.gather [hbm4b:s5+s15], $0x80, s13, s15, $0xb8;
	[tilespmem:$0x1F400] =	vst v63  }
0xa5: {  	s17 =	simm.s32 $0xC8  }
0xa6: {  	[tilespmem:s18], [sflag:$0x2] =	stream.indirect.gather [hbm4b:s5+s13], $0x80, s17, s13, $0xb8;
	[tilespmem:$0x1F400] =	vst v63  }
0xa7: {  	s31 =	simm.s32 $0x32C8  }
0xa8: {  	[tilespmem:s20], [sflag:$0x2] =	stream.indirect.gather [hbm4b:s5+s15], $0x80, s19, s15, $0xb8;
	[tilespmem:$0x1F400] =	vst v63  }
.LBB2_9:
0xa9: {  	_ =	swait.ge [sflag:s21], $0x4000  }
0xaa: {  	[sflag:s21] =	ssyncset.done $0x0  }
0xab: {  	[sflag:s21] =	ssyncadd.s32 $0xFFFFC000  }
0xac: {  	_ =	swait.ge [sflag:s21], $0x2400  }
0xad: {  	[sflag:s21] =	ssyncset.done $0x0  }
0xae: {  	[sflag:s21] =	ssyncadd.s32 $0xFFFFDC00  }
0xaf: {  	_ =	swait.ge [sflag:s25], $0x6400  }
0xb0: {  	[sflag:s25] =	ssyncset.done $0x0  }
0xb1: {  	s0 =	smul.u32 $0x640, s29;
	[sflag:s25] =	ssyncadd.s32 $0xFFFF9C00  }
0xb2: {  	s14 =	simm.s32 $0x200;
	s1 =	simm.s32 $0x0;
	s7 =	smov.u32 s30;
	v0 =	vld.msk [tilespmem:s30+$0x0], $0x1  }
.LBB2_10:
0xb3: {  	p0 =	sne.s32 s14, $0x18E00;
	_ =	sdelay $0x3  }
0xb4: {  	(v2sf) =	vpush v0, $0x0;
	_ =	sdelay $0xe  }
0xb5: {  	s8 =	spop (v2sf)  }
0xb6: {  	s8 =	sand.u32 $0x1, s8  }
0xb7: {  	s8 =	sshll.u32 s8, $0x8  }
0xb8: {  	s9 =	sadd.s32 s8, s1;
	s8 =	sshrl.u32 s8, $0x2  }
0xb9: {  	s9 =	sshra.s32 s9, $0x2  }
0xba: {  	v0 =	vld [tilespmem:s9+$0x6400];
	_ =	sdelay $0x4  }
0xbb: {  	v0 =	vmul.f32 $8.000000000e+00, v0  }
0xbc: {  	s16 =	sshra.s32 s1, $0x2;
	s1 =	smov.u32 s14  }
0xbd: {  	s8 =	sadd.s32 s16, s8;
	[tilespmem:s16+$0x12C00] =	vst v0  }
0xbe: {  	v0 =	vld [tilespmem:s8+$0x6410];
	_ =	sdelay $0x4  }
0xbf: {  	v0 =	vmul.f32 $8.000000000e+00, v0;
	_ =	sdelay $0x1  }
0xc0: {  	[tilespmem:s16+$0x12C10] =	vst v0  }
0xc1: {  	v0 =	vld [tilespmem:s8+$0x6420];
	_ =	sdelay $0x4  }
0xc2: {  	v0 =	vmul.f32 $8.000000000e+00, v0;
	_ =	sdelay $0x1  }
0xc3: {  	[tilespmem:s16+$0x12C20] =	vst v0  }
0xc4: {  	v0 =	vld [tilespmem:s9+$0x6430];
	_ =	sdelay $0x3  }
.Ltmp6:
0xc5: {  	(pc) =	sbr.rel @p0 .LBB2_10-.Ltmp6, $3  }
0xc6: {  	v0 =	vmul.f32 $8.000000000e+00, v0;
	_ =	sdelay $0x1  }
0xc7: {  	s7 =	sadd.s32 $0x1, s7;
	[tilespmem:s16+$0x12C30] =	vst v0  }
0xc8: {  	s14 =	sadd.s32 $0x200, s14;
	v0 =	vld.msk [tilespmem:s7+$0x0], $0x1  }
0xc9: {  	_ =	sdelay $0x3  }
0xca: {  	(v2sf) =	vpush v0, $0x0;
	_ =	sdelay $0xe  }
0xcb: {  	s7 =	spop (v2sf)  }
0xcc: {  	s7 =	sand.u32 $0x1, s7  }
0xcd: {  	s7 =	sshll.u32 s7, $0x8  }
0xce: {  	s8 =	sadd.s32 s7, s1  }
0xcf: {  	s8 =	sshra.s32 s8, $0x2  }
0xd0: {  	v0 =	vld [tilespmem:s8+$0x6400];
	_ =	sdelay $0x4  }
0xd1: {  	v0 =	vmul.f32 $8.000000000e+00, v0  }
0xd2: {  	s14 =	sshra.s32 s1, $0x2;
	s7 =	sshrl.u32 s7, $0x2  }
0xd3: {  	s7 =	sadd.s32 s14, s7;
	[tilespmem:s14+$0x12C00] =	vst v0  }
0xd4: {  	v0 =	vld [tilespmem:s7+$0x6410];
	_ =	sdelay $0x4  }
0xd5: {  	v0 =	vmul.f32 $8.000000000e+00, v0;
	_ =	sdelay $0x1  }
0xd6: {  	[tilespmem:s14+$0x12C10] =	vst v0  }
0xd7: {  	v0 =	vld [tilespmem:s7+$0x6420];
	_ =	sdelay $0x4  }
0xd8: {  	v0 =	vmul.f32 $8.000000000e+00, v0;
	_ =	sdelay $0x1  }
0xd9: {  	[tilespmem:s14+$0x12C20] =	vst v0  }
0xda: {  	v0 =	vld [tilespmem:s8+$0x6430];
	_ =	sdelay $0x2  }
0xdb: {  	s7 =	sshll.u32 s29, $0x1  }
0xdc: {  	s16 =	sadd.s32 s4, s7  }
0xdd: {  	s8 =	smul.u32 $0xC80, s16;
	v0 =	vmul.f32 $8.000000000e+00, v0  }
0xde: {  	p0 =	seq.s32 s29, $0x1F  }
0xdf: {  	s1 =	sshra.s32 @!p0 s0, $0x2;
	s17 =	sadd.s32 s6, s8;
	[tilespmem:s14+$0x12C30] =	vst v0  }
0xe0: {  	[hbm4b:s17+s2] =	stream.linear.scatter [tilespmem:s22], [sflag:$0x3], $0x6400, $0x38;
	[tilespmem:$0x1F400] =	vst v63  }
0xe1: {  	s9 =	simm.s32 @!p0 $0x80;
	s8 =	sadd.s32 @!p0 $0x190, s1;
	s14 =	simm.s32 @!p0 $0x6400  }
0xe2: {  	[tilespmem:s14], [sflag:$0x1] =	stream.indirect.gather @!p0 [hbm4b:s5+s9], $0x80, s8, s9, $0xb8;
	[tilespmem:$0x1F400] =	vst v63  }
0xe3: {  	s1 =	sadd.s32 @!p0 $0x210, s1;
	s8 =	simm.s32 @!p0 $0x48;
	s9 =	simm.s32 @!p0 $0xA400  }
0xe4: {  	[tilespmem:s9], [sflag:$0x1] =	stream.indirect.gather @!p0 [hbm4b:s5+s8], $0x80, s1, s8, $0xb8;
	[tilespmem:$0x1F400] =	vst v63  }
0xe5: {  	_ =	swait.ge [sflag:s23], $0x4000  }
0xe6: {  	[sflag:s23] =	ssyncset.done $0x0  }
0xe7: {  	[sflag:s23] =	ssyncadd.s32 $0xFFFFC000  }
0xe8: {  	_ =	swait.ge [sflag:s23], $0x2400  }
0xe9: {  	[sflag:s23] =	ssyncset.done $0x0  }
0xea: {  	[sflag:s23] =	ssyncadd.s32 $0xFFFFDC00  }
0xeb: {  	_ =	swait.ge [sflag:s26], $0x6400  }
0xec: {  	[sflag:s26] =	ssyncset.done $0x0  }
0xed: {  	s16 =	smov.u32 s31;
	[sflag:s26] =	ssyncadd.s32 $0xFFFF9C00  }
0xee: {  	s14 =	simm.s32 $0x0;
	s1 =	sor.u32 $0x1, s7;
	s7 =	simm.s32 $0x200;
	v0 =	vld.msk [tilespmem:s31+$0x0], $0x1  }
.LBB2_12:
0xef: {  	p1 =	sne.s32 s7, $0x18E00;
	_ =	sdelay $0x3  }
0xf0: {  	(v2sf) =	vpush v0, $0x0;
	_ =	sdelay $0xe  }
0xf1: {  	s8 =	spop (v2sf)  }
0xf2: {  	s8 =	sand.u32 $0x1, s8  }
0xf3: {  	s9 =	sshra.s32 s14, $0x2;
	s14 =	smov.u32 s7;
	s8 =	sshll.u32 s8, $0x6  }
0xf4: {  	s8 =	sadd.s32 s9, s8  }
0xf5: {  	v0 =	vld [tilespmem:s8+$0xC800];
	_ =	sdelay $0x4  }
0xf6: {  	v0 =	vmul.f32 $8.000000000e+00, v0;
	_ =	sdelay $0x1  }
0xf7: {  	[tilespmem:s9+$0x19000] =	vst v0  }
0xf8: {  	v0 =	vld [tilespmem:s8+$0xC810];
	_ =	sdelay $0x4  }
0xf9: {  	v0 =	vmul.f32 $8.000000000e+00, v0;
	_ =	sdelay $0x1  }
0xfa: {  	[tilespmem:s9+$0x19010] =	vst v0  }
0xfb: {  	v0 =	vld [tilespmem:s8+$0xC820];
	_ =	sdelay $0x4  }
0xfc: {  	v0 =	vmul.f32 $8.000000000e+00, v0;
	_ =	sdelay $0x1  }
0xfd: {  	[tilespmem:s9+$0x19020] =	vst v0  }
0xfe: {  	v0 =	vld [tilespmem:s8+$0xC830];
	_ =	sdelay $0x3  }
.Ltmp7:
0xff: {  	(pc) =	sbr.rel @p1 .LBB2_12-.Ltmp7, $3  }
0x100: {  	v0 =	vmul.f32 $8.000000000e+00, v0;
	_ =	sdelay $0x1  }
0x101: {  	s16 =	sadd.s32 $0x1, s16;
	[tilespmem:s9+$0x19030] =	vst v0  }
0x102: {  	s7 =	sadd.s32 $0x200, s7;
	v0 =	vld.msk [tilespmem:s16+$0x0], $0x1  }
0x103: {  	_ =	sdelay $0x3  }
0x104: {  	(v2sf) =	vpush v0, $0x0;
	_ =	sdelay $0xe  }
0x105: {  	s7 =	spop (v2sf)  }
0x106: {  	s7 =	sand.u32 $0x1, s7  }
0x107: {  	s8 =	sshra.s32 s14, $0x2;
	s7 =	sshll.u32 s7, $0x6  }
0x108: {  	s7 =	sadd.s32 s8, s7  }
0x109: {  	v63 =	vld [tilespmem:s7+$0xC800];
	_ =	sdelay $0x4  }
0x10a: {  	v0 =	vmul.f32 $8.000000000e+00, v63;
	_ =	sdelay $0x1  }
0x10b: {  	[tilespmem:s8+$0x19000] =	vst v0  }
0x10c: {  	v0 =	vld [tilespmem:s7+$0xC810];
	_ =	sdelay $0x4  }
0x10d: {  	v0 =	vmul.f32 $8.000000000e+00, v0;
	_ =	sdelay $0x1  }
0x10e: {  	[tilespmem:s8+$0x19010] =	vst v0  }
0x10f: {  	v0 =	vld [tilespmem:s7+$0xC820];
	_ =	sdelay $0x4  }
0x110: {  	v0 =	vmul.f32 $8.000000000e+00, v0;
	_ =	sdelay $0x1  }
0x111: {  	[tilespmem:s8+$0x19020] =	vst v0  }
0x112: {  	v0 =	vld [tilespmem:s7+$0xC830];
	_ =	sdelay $0x3  }
.Ltmp8:
0x113: {  	s1 =	sadd.s32 s4, s1;
	(pc) =	sbr.rel @p0 .LBB2_15-.Ltmp8, $3  }
0x114: {  	s1 =	smul.u32 $0xC80, s1;
	v0 =	vmul.f32 $8.000000000e+00, v0;
	_ =	sdelay $0x1  }
0x115: {  	s1 =	sadd.s32 s6, s1;
	[tilespmem:s8+$0x19030] =	vst v0  }
0x116: {  	[hbm4b:s1+s2] =	stream.linear.scatter [tilespmem:s24], [sflag:$0x4], $0x6400, $0x38;
	[tilespmem:$0x1F400] =	vst v63  }
.Ltmp9:
0x117: {  	s0 =	sshra.s32 s0, $0x2;
	(pc) =	sbr.rel .LBB2_9-.Ltmp9, $4  }
0x118: {  	s29 =	sadd.s32 $0x1, s29;
	s1 =	sadd.s32 $0x258, s0  }
0x119: {  	[tilespmem:s18], [sflag:$0x2] =	stream.indirect.gather [hbm4b:s5+s13], $0x80, s1, s13, $0xb8;
	[tilespmem:$0x1F400] =	vst v63  }
0x11a: {  	s30 =	sadd.s32 $0x190, s30;
	s31 =	sadd.s32 $0x190, s31;
	s0 =	sadd.s32 $0x2D8, s0  }
0x11b: {  	[tilespmem:s20], [sflag:$0x2] =	stream.indirect.gather [hbm4b:s5+s15], $0x80, s0, s15, $0xb8;
	[tilespmem:$0x1F400] =	vst v63  }
.LBB2_16:
0x11c: {  	_ =	sfence.sel $0x180000  }
0x11d: {  	[bflag:$0x0] =	sbarrier.arrive $0xFFFF  }
0x11e: {  	_ =	strace $0x90000047  }
0x11f: {  	s0 =	stileid.u32;
	[bflag:$0x2] =	sbarrier.arrive $0xFFFF  }
0x120: {  	p0 =	sne.s32 s0, $0x0;
	s0 =	rddreg [dreg:$0x2]  }
0x121: {  	s0 =	sadd.s32 @!p0 $0x100000, s0  }
0x122: {  	[sflag:s0] =	ssyncadd.tile.s32 @!p0 $0x1;
	_ =	shalt  }
.Lfunc_end2:
_tile_overlayer_lowered:
.L_overlay_start_2:
0x123: {  	(tag) =	ssettag $0x2  }
0x124: {  	s0 =	rddreg [dreg:$0x0];
	s2 =	stileid.u32  }
0x125: {  	s1 =	rddreg [dreg:$0x1];
	p0 =	sne.s32 s2, $0x0  }
0x126: {  	s3 =	rddreg [dreg:$0x2];
	[bflag:$0x3] =	sbarrier.arrive $0xFFFF;
	s2 =	simm.s32 @!p0 $0x1C05  }
0x127: {  	[timem:s3], [sflag:s2] =	dma.local @!p0 [hbm:s0], s1  }
0x128: {  	s0 =	simm.s32 @!p0 $0x5  }
0x129: {  	_ =	swait.ge @!p0 [sflag:s0], s1  }
0x12a: {  	s1 =	ssub.s32 @!p0 $0x0, s1;
	[sflag:s0] =	ssyncset.done @!p0 $0x0  }
0x12b: {  	[sflag:s0] =	ssyncadd.s32 @!p0 s1  }
0x12c: {  	[bflag:$0x3] =	sbarrier.arrive $0xFFFF  }
0x12d: {  	_ =	shalt  }

</sc_bundles>
